<compile_context>
chip_gen: v7x
topology: tpu7x:2x2x1
jax: 0.10.2.dev20260603
libtpu: 0.0.44.dev20260713+nightly
codegen_flags: <defaults>
</compile_context>

<pallas_src>
import functools

import jax
import jax.numpy as jnp
from jax import lax
from jax.experimental import pallas as pl
from jax.experimental.pallas import tpu as pltpu
from jax.experimental.pallas import tpu_sc as plsc

N_FIELDS = 26
VOCAB = 100000
EMB_DIM = 16
BATCH = 16384
N_CONT = 13
BN_EPS = 1e-5

R_EMB = N_FIELDS * EMB_DIM
R_TOT = R_EMB + N_CONT
NW = 32
RPW = R_EMB // NW
CH = 4096
NCH = BATCH // CH


def _rsqrt_newton(x):
  seed = plsc.bitcast(
      jnp.int32(0x5F3759DF) - (plsc.bitcast(x, jnp.int32) >> 1), jnp.float32)
  y = seed
  for _ in range(4):
    y = y * (1.5 - 0.5 * x * y * y)
  return y


def _sc_encode(xT, T2, xcT, g16, b16):
  mesh = plsc.VectorSubcoreMesh(core_axis_name="c", subcore_axis_name="s")

  @functools.partial(
      pl.kernel,
      mesh=mesh,
      out_type=jax.ShapeDtypeStruct((R_TOT, BATCH), jnp.float32),
      scratch_types=[
          pltpu.VMEM((VOCAB,), jnp.float32),
          pltpu.VMEM((BATCH,), jnp.int32),
          pltpu.VMEM((CH,), jnp.float32),
          pltpu.VMEM((CH,), jnp.float32),
          pltpu.VMEM((16,), jnp.float32),
          pltpu.VMEM((16,), jnp.float32),
          pltpu.SemaphoreType.DMA,
          pltpu.SemaphoreType.DMA,
      ],
      compiler_params=pltpu.CompilerParams(
          use_tc_tiling_on_sc=True, needs_layout_passes=False),
  )
  def k(xT_h, T2_h, xcT_h, g_h, b_h, out_h, rowb, idxb, outb0, outb1, gb, bb,
        sem0, sem1):
    wid = lax.axis_index("s") * 2 + lax.axis_index("c")
    base = wid * RPW
    obufs = (outb0, outb1)
    osems = (sem0, sem1)

    def row_body(j, prev_field):
      c = base + j
      i = c // EMB_DIM

      @pl.when(i != prev_field)
      def _():
        pltpu.sync_copy(xT_h.at[i], idxb)

      pltpu.sync_copy(T2_h.at[c], rowb)

      writes = []
      for kk in range(NCH):
        buf = obufs[kk % 2]
        if kk >= 2:
          writes[kk - 2].wait()

        @plsc.parallel_loop(0, CH, step=16, unroll=16)
        def _gather(t, _kk=kk, _buf=buf):
          iv = idxb[pl.ds(_kk * CH + t, 16)]
          _buf[pl.ds(t, 16)] = plsc.load_gather(rowb, [iv])
        cp = pltpu.make_async_copy(buf, out_h.at[c, pl.ds(kk * CH, CH)],
                                   osems[kk % 2])
        cp.start()
        writes.append(cp)
      writes[NCH - 2].wait()
      writes[NCH - 1].wait()
      return i

    @pl.when(wid >= NW - N_CONT)
    def _():
      f = wid - (NW - N_CONT)
      c = R_EMB + f
      pltpu.sync_copy(xcT_h.at[f], rowb.at[pl.ds(0, BATCH)])
      pltpu.sync_copy(g_h, gb)
      pltpu.sync_copy(b_h, bb)

      def acc(t, carry):
        s, q = carry
        v = rowb[pl.ds(t * 16, 16)]
        return s + v, q + v * v

      z = jnp.zeros((16,), jnp.float32)
      s, q = lax.fori_loop(0, BATCH // 16, acc, (z, z))
      tot = jnp.sum(s)
      mean = tot * (1.0 / BATCH)
      var = jnp.sum(q) * (1.0 / BATCH) - mean * mean
      fv = jnp.full((16,), f, jnp.int32)
      gval = plsc.load_gather(gb, [fv])
      bval = plsc.load_gather(bb, [fv])
      rstd = _rsqrt_newton(jnp.full((16,), var + BN_EPS, jnp.float32))
      scale = gval * rstd
      shift = bval - jnp.full((16,), mean, jnp.float32) * scale

      def nchunk(kk, cc):
        def nvec(t, c2):
          v = rowb[pl.ds(kk * CH + t * 16, 16)]
          outb0[pl.ds(t * 16, 16)] = v * scale + shift
          return c2

        lax.fori_loop(0, CH // 16, nvec, 0, unroll=8)
        pltpu.sync_copy(outb0, out_h.at[c, pl.ds(kk * CH, CH)])
        return cc

      lax.fori_loop(0, NCH, nchunk, 0)

    lax.fori_loop(0, RPW, row_body, jnp.int32(-1))


  return k(xT, T2, xcT, g16, b16)


def kernel(x_cat, x_cont, tables, gamma, beta):
  xT = x_cat.astype(jnp.int32).T
  T2 = jnp.transpose(tables, (0, 2, 1)).reshape(R_EMB, VOCAB)
  xcT = x_cont.T
  g16 = jnp.pad(gamma, (0, 16 - N_CONT))
  b16 = jnp.pad(beta, (0, 16 - N_CONT))
  outT = _sc_encode(xT, T2, xcT, g16, b16)
  return outT.T

# --- scband reference (transcript-rebuilt; emitter-appended) ---
"""Pipeline reference for scband-tabular-encoder-86234353369914 (READ-ONLY COPY).

The authoritative reference and input builder live on the scoring server;
editing this copy changes nothing except your own understanding.
"""

import jax, jax.numpy as jnp
import numpy as np

N_FIELDS = 26
VOCAB = 100000
EMB_DIM = 16
BATCH = 16384
N_CONT = 13
BN_EPS = 1e-5


def setup_inputs(seed: int = 0) -> dict:
    key = jax.random.key(seed)
    k1, k2, k3 = jax.random.split(key, 3)
    x_cat = jax.random.randint(k1, (BATCH, N_FIELDS), 0, VOCAB, dtype=jnp.int64) if jax.config.jax_enable_x64 else jax.random.randint(k1, (BATCH, N_FIELDS), 0, VOCAB, dtype=jnp.int32)
    x_cont = jax.random.normal(k2, (BATCH, N_CONT), dtype=jnp.float32)
    # stacked embedding tables: 26 tables of [VOCAB, EMB_DIM], torch nn.Embedding init ~ N(0, 1)
    tables = jax.random.normal(k3, (N_FIELDS, VOCAB, EMB_DIM), dtype=jnp.float32)
    # BatchNorm1d affine params (default init: weight=1, bias=0)
    gamma = jnp.ones((N_CONT,), dtype=jnp.float32)
    beta = jnp.zeros((N_CONT,), dtype=jnp.float32)
    return {"x_cat": x_cat, "x_cont": x_cont, "tables": tables, "gamma": gamma, "beta": beta}


def reference(x_cat, x_cont, tables, gamma, beta):
    # per-field embedding lookups, then concat along feature dim
    embs = [jnp.take(tables[i], x_cat[:, i], axis=0) for i in range(N_FIELDS)]
    x = jnp.concatenate(embs, axis=1)
    # emb_drop with p=0.0 is identity
    # BatchNorm1d in training mode: normalize with batch statistics (biased variance)
    mean = jnp.mean(x_cont, axis=0)
    var = jnp.var(x_cont, axis=0)
    xc = (x_cont - mean) / jnp.sqrt(var + BN_EPS) * gamma + beta
    return jnp.concatenate([x, xc], axis=1)

if __name__ == "__main__":
    import jax
    _d = setup_inputs()
    print(jax.jit(kernel)(*tuple(_d.values())))

</pallas_src>

<mosaic_0001>
#map = affine_map<(d0, d1) -> (0, 0)>
#map1 = affine_map<(d0, d1) -> (0)>
module attributes {stable_mosaic.version = 14 : i64} {
  func.func @k(%arg0: i32, %arg1: i32, %arg2: memref<26x16384xi32, #tpu.memory_space<hbm>>, %arg3: memref<416x100000xf32, #tpu.memory_space<hbm>>, %arg4: memref<13x16384xf32, #tpu.memory_space<hbm>>, %arg5: memref<16xf32, #tpu.memory_space<hbm>>, %arg6: memref<16xf32, #tpu.memory_space<hbm>>, %arg7: memref<429x16384xf32, #tpu.memory_space<hbm>>, %arg8: memref<100000xf32, #tpu.memory_space<vmem>>, %arg9: memref<16384xi32, #tpu.memory_space<vmem>>, %arg10: memref<4096xf32, #tpu.memory_space<vmem>>, %arg11: memref<4096xf32, #tpu.memory_space<vmem>>, %arg12: memref<16xf32, #tpu.memory_space<vmem>>, %arg13: memref<16xf32, #tpu.memory_space<vmem>>, %arg14: memref<!tpu.dma_semaphore, #tpu.memory_space<semaphore_mem>>, %arg15: memref<!tpu.dma_semaphore, #tpu.memory_space<semaphore_mem>>) attributes {dimension_semantics = [#tpu.dimension_semantics<core_parallel>, #tpu.dimension_semantics<subcore_parallel>], iteration_bounds = array<i64: 2, 16>, scalar_prefetch = 0 : i64, scratch_operands = 8 : i64, tpu.core_type = #tpu.core_type<sc_vector_subcore>, window_params = [{transform_indices = #map}, {transform_indices = #map}, {transform_indices = #map}, {transform_indices = #map1}, {transform_indices = #map1}, {transform_indices = #map}]} {
    %mul3A = arith.constant 2 : i32
    %mul3A_0 = arith.muli %arg1, %mul3A : i32
    %add3A = arith.addi %mul3A_0, %arg0 : i32
    %mul3A_1 = arith.constant 13 : i32
    %mul3A_2 = arith.muli %add3A, %mul3A_1 : i32
    %ge3A = arith.constant 19 : i32
    %ge3A_3 = arith.cmpi sge, %add3A, %ge3A : i32
    %convert_element_type3A = arith.extui %ge3A_3 : i1 to i32
    %cond3A = arith.constant 0 : i32
    %cond3A_4 = arith.cmpi ne, %convert_element_type3A, %cond3A : i32
    scf.if %cond3A_4 {
      %sub3A = arith.constant 19 : i32
      %sub3A_11 = arith.subi %add3A, %sub3A : i32
      %add3A_12 = arith.constant 416 : i32
      %add3A_13 = arith.addi %add3A_12, %sub3A_11 : i32
      "tpu.region"() ({
        %run_scoped3A = tpu.sem_alloc : memref<!tpu.dma_semaphore, #tpu.memory_space<semaphore_mem>>
        %dma_start3A = arith.constant 0 : i32
        %dma_start3A_91 = tpu.memref_slice %arg8[%dma_start3A] : memref<100000xf32, #tpu.memory_space<vmem>> -> memref<16384xf32, #tpu.memory_space<vmem>>
        %dma_start3A_92 = arith.constant 0 : i32
        %dma_start3A_93 = tpu.memref_slice %arg4[%sub3A_11, %dma_start3A_92] : memref<13x16384xf32, #tpu.memory_space<hbm>> -> memref<1x16384xf32, #tpu.memory_space<hbm>>
        %dma_start3A_94 = tpu.memref_squeeze %dma_start3A_93 : memref<1x16384xf32, #tpu.memory_space<hbm>> -> memref<16384xf32, #tpu.memory_space<hbm>>
        %dma_start3A_95 = arith.constant 0 : i32
        %dma_start3A_96 = tpu.memref_slice %arg8[%dma_start3A_95] : memref<100000xf32, #tpu.memory_space<vmem>> -> memref<16384xf32, #tpu.memory_space<vmem>>
        %dma_start3A_97 = arith.constant 0 : i32
        %dma_start3A_98 = tpu.memref_slice %arg4[%sub3A_11, %dma_start3A_97] : memref<13x16384xf32, #tpu.memory_space<hbm>> -> memref<1x16384xf32, #tpu.memory_space<hbm>>
        %dma_start3A_99 = tpu.memref_squeeze %dma_start3A_98 : memref<1x16384xf32, #tpu.memory_space<hbm>> -> memref<16384xf32, #tpu.memory_space<hbm>>
        tpu.enqueue_dma source(%dma_start3A_99 : memref<16384xf32, #tpu.memory_space<hbm>>) target(%dma_start3A_96 : memref<16384xf32, #tpu.memory_space<vmem>>) target_semaphore(%run_scoped3A : memref<!tpu.dma_semaphore, #tpu.memory_space<semaphore_mem>>)
        %dma_wait3A = arith.constant 0 : i32
        %dma_wait3A_100 = tpu.memref_slice %arg8[%dma_wait3A] : memref<100000xf32, #tpu.memory_space<vmem>> -> memref<16384xf32, #tpu.memory_space<vmem>>
        %dma_wait3A_101 = arith.constant 0 : i32
        %dma_wait3A_102 = tpu.memref_slice %arg4[%sub3A_11, %dma_wait3A_101] : memref<13x16384xf32, #tpu.memory_space<hbm>> -> memref<1x16384xf32, #tpu.memory_space<hbm>>
        %dma_wait3A_103 = tpu.memref_squeeze %dma_wait3A_102 : memref<1x16384xf32, #tpu.memory_space<hbm>> -> memref<16384xf32, #tpu.memory_space<hbm>>
        %dma_wait3A_104 = arith.constant 0 : i32
        %dma_wait3A_105 = tpu.memref_slice %arg8[%dma_wait3A_104] : memref<100000xf32, #tpu.memory_space<vmem>> -> memref<16384xf32, #tpu.memory_space<vmem>>
        %dma_wait3A_106 = arith.constant 0 : i32
        %dma_wait3A_107 = tpu.memref_slice %arg4[%sub3A_11, %dma_wait3A_106] : memref<13x16384xf32, #tpu.memory_space<hbm>> -> memref<1x16384xf32, #tpu.memory_space<hbm>>
        %dma_wait3A_108 = tpu.memref_squeeze %dma_wait3A_107 : memref<1x16384xf32, #tpu.memory_space<hbm>> -> memref<16384xf32, #tpu.memory_space<hbm>>
        tpu.wait_dma2 semaphore(%run_scoped3A : memref<!tpu.dma_semaphore, #tpu.memory_space<semaphore_mem>>) src(%dma_wait3A_108 : memref<16384xf32, #tpu.memory_space<hbm>>) dst(%dma_wait3A_105 : memref<16384xf32, #tpu.memory_space<vmem>>)
        tpu.yield
      }) : () -> ()
      "tpu.region"() ({
        %run_scoped3A = tpu.sem_alloc : memref<!tpu.dma_semaphore, #tpu.memory_space<semaphore_mem>>
        tpu.enqueue_dma source(%arg5 : memref<16xf32, #tpu.memory_space<hbm>>) target(%arg12 : memref<16xf32, #tpu.memory_space<vmem>>) target_semaphore(%run_scoped3A : memref<!tpu.dma_semaphore, #tpu.memory_space<semaphore_mem>>)
        tpu.wait_dma2 semaphore(%run_scoped3A : memref<!tpu.dma_semaphore, #tpu.memory_space<semaphore_mem>>) src(%arg5 : memref<16xf32, #tpu.memory_space<hbm>>) dst(%arg12 : memref<16xf32, #tpu.memory_space<vmem>>)
        tpu.yield
      }) : () -> ()
      "tpu.region"() ({
        %run_scoped3A = tpu.sem_alloc : memref<!tpu.dma_semaphore, #tpu.memory_space<semaphore_mem>>
        tpu.enqueue_dma source(%arg6 : memref<16xf32, #tpu.memory_space<hbm>>) target(%arg13 : memref<16xf32, #tpu.memory_space<vmem>>) target_semaphore(%run_scoped3A : memref<!tpu.dma_semaphore, #tpu.memory_space<semaphore_mem>>)
        tpu.wait_dma2 semaphore(%run_scoped3A : memref<!tpu.dma_semaphore, #tpu.memory_space<semaphore_mem>>) src(%arg6 : memref<16xf32, #tpu.memory_space<hbm>>) dst(%arg13 : memref<16xf32, #tpu.memory_space<vmem>>)
        tpu.yield
      }) : () -> ()
      %broadcast_in_dim3A = arith.constant 0.000000e+00 : f32
      %broadcast_in_dim3A_14 = vector.broadcast %broadcast_in_dim3A : f32 to vector<16xf32>
      %scan3A_15 = arith.constant 0 : i32
      %scan3A_16 = arith.constant 1024 : i32
      %scan3A_17 = arith.addi %scan3A_15, %scan3A_16 : i32
      %scan3A_18 = arith.constant 1 : i32
      %scan3A_19:2 = scf.for %scan3A_91 = %scan3A_15 to %scan3A_17 step %scan3A_18 iter_args(%scan3A_92 = %broadcast_in_dim3A_14, %scan3A_93 = %broadcast_in_dim3A_14) -> (vector<16xf32>, vector<16xf32>)  : i32 {
        %mul3A_94 = arith.constant 16 : i32
        %mul3A_95 = arith.muli %scan3A_91, %mul3A_94 : i32
        %get3A = arith.index_cast %mul3A_95 : i32 to index
        %get3A_96 = tpu.vector_load %arg8[%get3A] {strides = array<i32>} : memref<100000xf32, #tpu.memory_space<vmem>>, vector<16xf32>,
        %add3A_97 = arith.addf %scan3A_92, %get3A_96 : vector<16xf32>
        %mul3A_98 = arith.mulf %get3A_96, %get3A_96 : vector<16xf32>
        %add3A_99 = arith.addf %scan3A_93, %mul3A_98 : vector<16xf32>
        scf.yield %add3A_97, %add3A_99 : vector<16xf32>, vector<16xf32>
      }
      %scan3A_20 = arith.constant 1024 : i32
      %reduce_sum3A = arith.constant true
      %reduce_sum3A_21 = vector.broadcast %reduce_sum3A : i1 to vector<16xi1>
      %reduce_sum3A_22 = tpu.scan <sum>, %scan3A_19#0 masked %reduce_sum3A_21 : vector<16xf32>, vector<16xi1> -> vector<16xf32>
      %reduce_sum3A_23 = vector.extract %reduce_sum3A_22[15] : f32 from vector<16xf32>
      %mul3A_24 = arith.constant 6.10351563E-5 : f32
      %mul3A_25 = arith.mulf %reduce_sum3A_23, %mul3A_24 : f32
      %reduce_sum3A_26 = arith.constant true
      %reduce_sum3A_27 = vector.broadcast %reduce_sum3A_26 : i1 to vector<16xi1>
      %reduce_sum3A_28 = tpu.scan <sum>, %scan3A_19#1 masked %reduce_sum3A_27 : vector<16xf32>, vector<16xi1> -> vector<16xf32>
      %reduce_sum3A_29 = vector.extract %reduce_sum3A_28[15] : f32 from vector<16xf32>
      %mul3A_30 = arith.constant 6.10351563E-5 : f32
      %mul3A_31 = arith.mulf %reduce_sum3A_29, %mul3A_30 : f32
      %mul3A_32 = arith.mulf %mul3A_25, %mul3A_25 : f32
      %sub3A_33 = arith.subf %mul3A_31, %mul3A_32 : f32
      %broadcast_in_dim3A_34 = vector.broadcast %sub3A_11 : i32 to vector<16xi32>
      %gather3A = tpu.vector_load_idx %arg12[%broadcast_in_dim3A_34] : memref<16xf32, #tpu.memory_space<vmem>>[vector<16xi32>], vector<16xf32>,
      %gather3A_35 = tpu.vector_load_idx %arg13[%broadcast_in_dim3A_34] : memref<16xf32, #tpu.memory_space<vmem>>[vector<16xi32>], vector<16xf32>,
      %add3A_36 = arith.constant 9.99999974E-6 : f32
      %add3A_37 = arith.addf %sub3A_33, %add3A_36 : f32
      %broadcast_in_dim3A_38 = vector.broadcast %add3A_37 : f32 to vector<16xf32>
      %bitcast3A = vector.bitcast %broadcast_in_dim3A_38 : vector<16xf32> to vector<16xi32>
      %shift_right_arithmetic3A = arith.constant 1 : i32
      %shift_right_arithmetic3A_39 = vector.broadcast %shift_right_arithmetic3A : i32 to vector<16xi32>
      %shift_right_arithmetic3A_40 = arith.shrsi %bitcast3A, %shift_right_arithmetic3A_39 : vector<16xi32>
      %sub3A_41 = arith.constant 1597463007 : i32
      %sub3A_42 = vector.broadcast %sub3A_41 : i32 to vector<16xi32>
      %sub3A_43 = arith.subi %sub3A_42, %shift_right_arithmetic3A_40 : vector<16xi32>
      %bitcast3A_44 = vector.bitcast %sub3A_43 : vector<16xi32> to vector<16xf32>
      %mul3A_45 = arith.constant 5.000000e-01 : f32
      %mul3A_46 = vector.broadcast %mul3A_45 : f32 to vector<16xf32>
      %mul3A_47 = arith.mulf %mul3A_46, %broadcast_in_dim3A_38 : vector<16xf32>
      %mul3A_48 = arith.mulf %mul3A_47, %bitcast3A_44 : vector<16xf32>
      %mul3A_49 = arith.mulf %mul3A_48, %bitcast3A_44 : vector<16xf32>
      %sub3A_50 = arith.constant 1.500000e+00 : f32
      %sub3A_51 = vector.broadcast %sub3A_50 : f32 to vector<16xf32>
      %sub3A_52 = arith.subf %sub3A_51, %mul3A_49 : vector<16xf32>
      %mul3A_53 = arith.mulf %bitcast3A_44, %sub3A_52 : vector<16xf32>
      %mul3A_54 = arith.constant 5.000000e-01 : f32
      %mul3A_55 = vector.broadcast %mul3A_54 : f32 to vector<16xf32>
      %mul3A_56 = arith.mulf %mul3A_55, %broadcast_in_dim3A_38 : vector<16xf32>
      %mul3A_57 = arith.mulf %mul3A_56, %mul3A_53 : vector<16xf32>
      %mul3A_58 = arith.mulf %mul3A_57, %mul3A_53 : vector<16xf32>
      %sub3A_59 = arith.constant 1.500000e+00 : f32
      %sub3A_60 = vector.broadcast %sub3A_59 : f32 to vector<16xf32>
      %sub3A_61 = arith.subf %sub3A_60, %mul3A_58 : vector<16xf32>
      %mul3A_62 = arith.mulf %mul3A_53, %sub3A_61 : vector<16xf32>
      %mul3A_63 = arith.constant 5.000000e-01 : f32
      %mul3A_64 = vector.broadcast %mul3A_63 : f32 to vector<16xf32>
      %mul3A_65 = arith.mulf %mul3A_64, %broadcast_in_dim3A_38 : vector<16xf32>
      %mul3A_66 = arith.mulf %mul3A_65, %mul3A_62 : vector<16xf32>
      %mul3A_67 = arith.mulf %mul3A_66, %mul3A_62 : vector<16xf32>
      %sub3A_68 = arith.constant 1.500000e+00 : f32
      %sub3A_69 = vector.broadcast %sub3A_68 : f32 to vector<16xf32>
      %sub3A_70 = arith.subf %sub3A_69, %mul3A_67 : vector<16xf32>
      %mul3A_71 = arith.mulf %mul3A_62, %sub3A_70 : vector<16xf32>
      %mul3A_72 = arith.constant 5.000000e-01 : f32
      %mul3A_73 = vector.broadcast %mul3A_72 : f32 to vector<16xf32>
      %mul3A_74 = arith.mulf %mul3A_73, %broadcast_in_dim3A_38 : vector<16xf32>
      %mul3A_75 = arith.mulf %mul3A_74, %mul3A_71 : vector<16xf32>
      %mul3A_76 = arith.mulf %mul3A_75, %mul3A_71 : vector<16xf32>
      %sub3A_77 = arith.constant 1.500000e+00 : f32
      %sub3A_78 = vector.broadcast %sub3A_77 : f32 to vector<16xf32>
      %sub3A_79 = arith.subf %sub3A_78, %mul3A_76 : vector<16xf32>
      %mul3A_80 = arith.mulf %mul3A_71, %sub3A_79 : vector<16xf32>
      %mul3A_81 = arith.mulf %gather3A, %mul3A_80 : vector<16xf32>
      %broadcast_in_dim3A_82 = vector.broadcast %mul3A_25 : f32 to vector<16xf32>
      %mul3A_83 = arith.mulf %broadcast_in_dim3A_82, %mul3A_81 : vector<16xf32>
      %sub3A_84 = arith.subf %gather3A_35, %mul3A_83 : vector<16xf32>
      %scan3A_85 = arith.constant 0 : i32
      %scan3A_86 = arith.constant 0 : i32
      %scan3A_87 = arith.constant 4 : i32
      %scan3A_88 = arith.addi %scan3A_86, %scan3A_87 : i32
      %scan3A_89 = arith.constant 1 : i32
      scf.for %scan3A_91 = %scan3A_86 to %scan3A_88 step %scan3A_89  : i32 {
        %scan3A_92 = arith.constant 0 : i32
        %scan3A_93 = arith.constant 0 : i32
        %scan3A_94 = arith.constant 256 : i32
        %scan3A_95 = arith.addi %scan3A_93, %scan3A_94 : i32
        %scan3A_96 = arith.constant 8 : i32
        scf.for %scan3A_100 = %scan3A_93 to %scan3A_95 step %scan3A_96  : i32 {
          %mul3A_101 = arith.constant 4096 : i32
          %mul3A_102 = arith.muli %scan3A_91, %mul3A_101 : i32
          %mul3A_103 = arith.constant 16 : i32
          %mul3A_104 = arith.muli %scan3A_100, %mul3A_103 : i32
          %add3A_105 = arith.addi %mul3A_102, %mul3A_104 : i32
          %get3A = arith.index_cast %add3A_105 : i32 to index
          %get3A_106 = tpu.vector_load %arg8[%get3A] {strides = array<i32>} : memref<100000xf32, #tpu.memory_space<vmem>>, vector<16xf32>,
          %mul3A_107 = arith.mulf %get3A_106, %mul3A_81 : vector<16xf32>
          %add3A_108 = arith.addf %mul3A_107, %sub3A_84 : vector<16xf32>
          %mul3A_109 = arith.constant 16 : i32
          %mul3A_110 = arith.muli %scan3A_100, %mul3A_109 : i32
          %swap3A = arith.index_cast %mul3A_110 : i32 to index
          %swap3A_111 = tpu.vector_load %arg10[%swap3A] {strides = array<i32>} : memref<4096xf32, #tpu.memory_space<vmem>>, vector<16xf32>,
          tpu.vector_store %arg10[%swap3A], %add3A_108 {strides = array<i32>} : memref<4096xf32, #tpu.memory_space<vmem>>, vector<16xf32>,
          %scan3A_112 = arith.constant 1 : i32
          %scan3A_113 = arith.addi %scan3A_100, %scan3A_112 : i32
          %mul3A_114 = arith.constant 4096 : i32
          %mul3A_115 = arith.muli %scan3A_91, %mul3A_114 : i32
          %mul3A_116 = arith.constant 16 : i32
          %mul3A_117 = arith.muli %scan3A_113, %mul3A_116 : i32
          %add3A_118 = arith.addi %mul3A_115, %mul3A_117 : i32
          %get3A_119 = arith.index_cast %add3A_118 : i32 to index
          %get3A_120 = tpu.vector_load %arg8[%get3A_119] {strides = array<i32>} : memref<100000xf32, #tpu.memory_space<vmem>>, vector<16xf32>,
          %mul3A_121 = arith.mulf %get3A_120, %mul3A_81 : vector<16xf32>
          %add3A_122 = arith.addf %mul3A_121, %sub3A_84 : vector<16xf32>
          %mul3A_123 = arith.constant 16 : i32
          %mul3A_124 = arith.muli %scan3A_113, %mul3A_123 : i32
          %swap3A_125 = arith.index_cast %mul3A_124 : i32 to index
          %swap3A_126 = tpu.vector_load %arg10[%swap3A_125] {strides = array<i32>} : memref<4096xf32, #tpu.memory_space<vmem>>, vector<16xf32>,
          tpu.vector_store %arg10[%swap3A_125], %add3A_122 {strides = array<i32>} : memref<4096xf32, #tpu.memory_space<vmem>>, vector<16xf32>,
          %scan3A_127 = arith.constant 2 : i32
          %scan3A_128 = arith.addi %scan3A_100, %scan3A_127 : i32
          %mul3A_129 = arith.constant 4096 : i32
          %mul3A_130 = arith.muli %scan3A_91, %mul3A_129 : i32
          %mul3A_131 = arith.constant 16 : i32
          %mul3A_132 = arith.muli %scan3A_128, %mul3A_131 : i32
          %add3A_133 = arith.addi %mul3A_130, %mul3A_132 : i32
          %get3A_134 = arith.index_cast %add3A_133 : i32 to index
          %get3A_135 = tpu.vector_load %arg8[%get3A_134] {strides = array<i32>} : memref<100000xf32, #tpu.memory_space<vmem>>, vector<16xf32>,
          %mul3A_136 = arith.mulf %get3A_135, %mul3A_81 : vector<16xf32>
          %add3A_137 = arith.addf %mul3A_136, %sub3A_84 : vector<16xf32>
          %mul3A_138 = arith.constant 16 : i32
          %mul3A_139 = arith.muli %scan3A_128, %mul3A_138 : i32
          %swap3A_140 = arith.index_cast %mul3A_139 : i32 to index
          %swap3A_141 = tpu.vector_load %arg10[%swap3A_140] {strides = array<i32>} : memref<4096xf32, #tpu.memory_space<vmem>>, vector<16xf32>,
          tpu.vector_store %arg10[%swap3A_140], %add3A_137 {strides = array<i32>} : memref<4096xf32, #tpu.memory_space<vmem>>, vector<16xf32>,
          %scan3A_142 = arith.constant 3 : i32
          %scan3A_143 = arith.addi %scan3A_100, %scan3A_142 : i32
          %mul3A_144 = arith.constant 4096 : i32
          %mul3A_145 = arith.muli %scan3A_91, %mul3A_144 : i32
          %mul3A_146 = arith.constant 16 : i32
          %mul3A_147 = arith.muli %scan3A_143, %mul3A_146 : i32
          %add3A_148 = arith.addi %mul3A_145, %mul3A_147 : i32
          %get3A_149 = arith.index_cast %add3A_148 : i32 to index
          %get3A_150 = tpu.vector_load %arg8[%get3A_149] {strides = array<i32>} : memref<100000xf32, #tpu.memory_space<vmem>>, vector<16xf32>,
          %mul3A_151 = arith.mulf %get3A_150, %mul3A_81 : vector<16xf32>
          %add3A_152 = arith.addf %mul3A_151, %sub3A_84 : vector<16xf32>
          %mul3A_153 = arith.constant 16 : i32
          %mul3A_154 = arith.muli %scan3A_143, %mul3A_153 : i32
          %swap3A_155 = arith.index_cast %mul3A_154 : i32 to index
          %swap3A_156 = tpu.vector_load %arg10[%swap3A_155] {strides = array<i32>} : memref<4096xf32, #tpu.memory_space<vmem>>, vector<16xf32>,
          tpu.vector_store %arg10[%swap3A_155], %add3A_152 {strides = array<i32>} : memref<4096xf32, #tpu.memory_space<vmem>>, vector<16xf32>,
          %scan3A_157 = arith.constant 4 : i32
          %scan3A_158 = arith.addi %scan3A_100, %scan3A_157 : i32
          %mul3A_159 = arith.constant 4096 : i32
          %mul3A_160 = arith.muli %scan3A_91, %mul3A_159 : i32
          %mul3A_161 = arith.constant 16 : i32
          %mul3A_162 = arith.muli %scan3A_158, %mul3A_161 : i32
          %add3A_163 = arith.addi %mul3A_160, %mul3A_162 : i32
          %get3A_164 = arith.index_cast %add3A_163 : i32 to index
          %get3A_165 = tpu.vector_load %arg8[%get3A_164] {strides = array<i32>} : memref<100000xf32, #tpu.memory_space<vmem>>, vector<16xf32>,
          %mul3A_166 = arith.mulf %get3A_165, %mul3A_81 : vector<16xf32>
          %add3A_167 = arith.addf %mul3A_166, %sub3A_84 : vector<16xf32>
          %mul3A_168 = arith.constant 16 : i32
          %mul3A_169 = arith.muli %scan3A_158, %mul3A_168 : i32
          %swap3A_170 = arith.index_cast %mul3A_169 : i32 to index
          %swap3A_171 = tpu.vector_load %arg10[%swap3A_170] {strides = array<i32>} : memref<4096xf32, #tpu.memory_space<vmem>>, vector<16xf32>,
          tpu.vector_store %arg10[%swap3A_170], %add3A_167 {strides = array<i32>} : memref<4096xf32, #tpu.memory_space<vmem>>, vector<16xf32>,
          %scan3A_172 = arith.constant 5 : i32
          %scan3A_173 = arith.addi %scan3A_100, %scan3A_172 : i32
          %mul3A_174 = arith.constant 4096 : i32
          %mul3A_175 = arith.muli %scan3A_91, %mul3A_174 : i32
          %mul3A_176 = arith.constant 16 : i32
          %mul3A_177 = arith.muli %scan3A_173, %mul3A_176 : i32
          %add3A_178 = arith.addi %mul3A_175, %mul3A_177 : i32
          %get3A_179 = arith.index_cast %add3A_178 : i32 to index
          %get3A_180 = tpu.vector_load %arg8[%get3A_179] {strides = array<i32>} : memref<100000xf32, #tpu.memory_space<vmem>>, vector<16xf32>,
          %mul3A_181 = arith.mulf %get3A_180, %mul3A_81 : vector<16xf32>
          %add3A_182 = arith.addf %mul3A_181, %sub3A_84 : vector<16xf32>
          %mul3A_183 = arith.constant 16 : i32
          %mul3A_184 = arith.muli %scan3A_173, %mul3A_183 : i32
          %swap3A_185 = arith.index_cast %mul3A_184 : i32 to index
          %swap3A_186 = tpu.vector_load %arg10[%swap3A_185] {strides = array<i32>} : memref<4096xf32, #tpu.memory_space<vmem>>, vector<16xf32>,
          tpu.vector_store %arg10[%swap3A_185], %add3A_182 {strides = array<i32>} : memref<4096xf32, #tpu.memory_space<vmem>>, vector<16xf32>,
          %scan3A_187 = arith.constant 6 : i32
          %scan3A_188 = arith.addi %scan3A_100, %scan3A_187 : i32
          %mul3A_189 = arith.constant 4096 : i32
          %mul3A_190 = arith.muli %scan3A_91, %mul3A_189 : i32
          %mul3A_191 = arith.constant 16 : i32
          %mul3A_192 = arith.muli %scan3A_188, %mul3A_191 : i32
          %add3A_193 = arith.addi %mul3A_190, %mul3A_192 : i32
          %get3A_194 = arith.index_cast %add3A_193 : i32 to index
          %get3A_195 = tpu.vector_load %arg8[%get3A_194] {strides = array<i32>} : memref<100000xf32, #tpu.memory_space<vmem>>, vector<16xf32>,
          %mul3A_196 = arith.mulf %get3A_195, %mul3A_81 : vector<16xf32>
          %add3A_197 = arith.addf %mul3A_196, %sub3A_84 : vector<16xf32>
          %mul3A_198 = arith.constant 16 : i32
          %mul3A_199 = arith.muli %scan3A_188, %mul3A_198 : i32
          %swap3A_200 = arith.index_cast %mul3A_199 : i32 to index
          %swap3A_201 = tpu.vector_load %arg10[%swap3A_200] {strides = array<i32>} : memref<4096xf32, #tpu.memory_space<vmem>>, vector<16xf32>,
          tpu.vector_store %arg10[%swap3A_200], %add3A_197 {strides = array<i32>} : memref<4096xf32, #tpu.memory_space<vmem>>, vector<16xf32>,
          %scan3A_202 = arith.constant 7 : i32
          %scan3A_203 = arith.addi %scan3A_100, %scan3A_202 : i32
          %mul3A_204 = arith.constant 4096 : i32
          %mul3A_205 = arith.muli %scan3A_91, %mul3A_204 : i32
          %mul3A_206 = arith.constant 16 : i32
          %mul3A_207 = arith.muli %scan3A_203, %mul3A_206 : i32
          %add3A_208 = arith.addi %mul3A_205, %mul3A_207 : i32
          %get3A_209 = arith.index_cast %add3A_208 : i32 to index
          %get3A_210 = tpu.vector_load %arg8[%get3A_209] {strides = array<i32>} : memref<100000xf32, #tpu.memory_space<vmem>>, vector<16xf32>,
          %mul3A_211 = arith.mulf %get3A_210, %mul3A_81 : vector<16xf32>
          %add3A_212 = arith.addf %mul3A_211, %sub3A_84 : vector<16xf32>
          %mul3A_213 = arith.constant 16 : i32
          %mul3A_214 = arith.muli %scan3A_203, %mul3A_213 : i32
          %swap3A_215 = arith.index_cast %mul3A_214 : i32 to index
          %swap3A_216 = tpu.vector_load %arg10[%swap3A_215] {strides = array<i32>} : memref<4096xf32, #tpu.memory_space<vmem>>, vector<16xf32>,
          tpu.vector_store %arg10[%swap3A_215], %add3A_212 {strides = array<i32>} : memref<4096xf32, #tpu.memory_space<vmem>>, vector<16xf32>,
        }
        %scan3A_97 = arith.constant 256 : i32
        %mul3A_98 = arith.constant 4096 : i32
        %mul3A_99 = arith.muli %scan3A_91, %mul3A_98 : i32
        "tpu.region"() ({
          %run_scoped3A = tpu.sem_alloc : memref<!tpu.dma_semaphore, #tpu.memory_space<semaphore_mem>>
          %dma_start3A = tpu.memref_slice %arg7[%add3A_13, %mul3A_99] : memref<429x16384xf32, #tpu.memory_space<hbm>> -> memref<1x4096xf32, #tpu.memory_space<hbm>>
          %dma_start3A_100 = tpu.memref_squeeze %dma_start3A : memref<1x4096xf32, #tpu.memory_space<hbm>> -> memref<4096xf32, #tpu.memory_space<hbm>>
          %dma_start3A_101 = tpu.memref_slice %arg7[%add3A_13, %mul3A_99] : memref<429x16384xf32, #tpu.memory_space<hbm>> -> memref<1x4096xf32, #tpu.memory_space<hbm>>
          %dma_start3A_102 = tpu.memref_squeeze %dma_start3A_101 : memref<1x4096xf32, #tpu.memory_space<hbm>> -> memref<4096xf32, #tpu.memory_space<hbm>>
          tpu.enqueue_dma source(%arg10 : memref<4096xf32, #tpu.memory_space<vmem>>) target(%dma_start3A_102 : memref<4096xf32, #tpu.memory_space<hbm>>) target_semaphore(%run_scoped3A : memref<!tpu.dma_semaphore, #tpu.memory_space<semaphore_mem>>)
          %dma_wait3A = tpu.memref_slice %arg7[%add3A_13, %mul3A_99] : memref<429x16384xf32, #tpu.memory_space<hbm>> -> memref<1x4096xf32, #tpu.memory_space<hbm>>
          %dma_wait3A_103 = tpu.memref_squeeze %dma_wait3A : memref<1x4096xf32, #tpu.memory_space<hbm>> -> memref<4096xf32, #tpu.memory_space<hbm>>
          %dma_wait3A_104 = tpu.memref_slice %arg7[%add3A_13, %mul3A_99] : memref<429x16384xf32, #tpu.memory_space<hbm>> -> memref<1x4096xf32, #tpu.memory_space<hbm>>
          %dma_wait3A_105 = tpu.memref_squeeze %dma_wait3A_104 : memref<1x4096xf32, #tpu.memory_space<hbm>> -> memref<4096xf32, #tpu.memory_space<hbm>>
          tpu.wait_dma2 semaphore(%run_scoped3A : memref<!tpu.dma_semaphore, #tpu.memory_space<semaphore_mem>>) src(%arg10 : memref<4096xf32, #tpu.memory_space<vmem>>) dst(%dma_wait3A_105 : memref<4096xf32, #tpu.memory_space<hbm>>)
          tpu.yield
        }) : () -> ()
      }
      %scan3A_90 = arith.constant 4 : i32
    } else {
    }
    %scan3A = arith.constant -1 : i32
    %scan3A_5 = arith.constant 0 : i32
    %scan3A_6 = arith.constant 13 : i32
    %scan3A_7 = arith.addi %scan3A_5, %scan3A_6 : i32
    %scan3A_8 = arith.constant 1 : i32
    %scan3A_9 = scf.for %scan3A_11 = %scan3A_5 to %scan3A_7 step %scan3A_8 iter_args(%scan3A_12 = %scan3A) -> (i32)  : i32 {
      %add3A_13 = arith.addi %mul3A_2, %scan3A_11 : i32
      %jit3A = arith.constant 16 : i32
      %div3A = arith.divsi %add3A_13, %jit3A : i32
      %sign3A = arith.constant 0 : i32
      %sign3A_14 = arith.cmpi sgt, %add3A_13, %sign3A : i32
      %sign3A_15 = arith.extui %sign3A_14 : i1 to i32
      %sign3A_16 = arith.constant 0 : i32
      %sign3A_17 = arith.cmpi slt, %add3A_13, %sign3A_16 : i32
      %sign3A_18 = arith.extui %sign3A_17 : i1 to i32
      %sign3A_19 = arith.subi %sign3A_15, %sign3A_18 : i32
      %sign3A_20 = arith.constant 0 : i32
      %sign3A_21 = arith.cmpi sgt, %jit3A, %sign3A_20 : i32
      %sign3A_22 = arith.extui %sign3A_21 : i1 to i32
      %sign3A_23 = arith.constant 0 : i32
      %sign3A_24 = arith.cmpi slt, %jit3A, %sign3A_23 : i32
      %sign3A_25 = arith.extui %sign3A_24 : i1 to i32
      %sign3A_26 = arith.subi %sign3A_22, %sign3A_25 : i32
      %ne3A = arith.cmpi ne, %sign3A_19, %sign3A_26 : i32
      %rem3A = arith.remsi %add3A_13, %jit3A : i32
      %ne3A_27 = arith.constant 0 : i32
      %ne3A_28 = arith.cmpi ne, %rem3A, %ne3A_27 : i32
      %and3A = arith.andi %ne3A, %ne3A_28 : i1
      %sub3A = arith.constant 1 : i32
      %sub3A_29 = arith.subi %div3A, %sub3A : i32
      %select_n3A = arith.select %and3A, %sub3A_29, %div3A : i32
      %ne3A_30 = arith.cmpi ne, %select_n3A, %scan3A_12 : i32
      %convert_element_type3A_31 = arith.extui %ne3A_30 : i1 to i32
      %cond3A_32 = arith.constant 0 : i32
      %cond3A_33 = arith.cmpi ne, %convert_element_type3A_31, %cond3A_32 : i32
      scf.if %cond3A_33 {
        "tpu.region"() ({
          %run_scoped3A = tpu.sem_alloc : memref<!tpu.dma_semaphore, #tpu.memory_space<semaphore_mem>>
          %dma_start3A_91 = arith.constant 0 : i32
          %dma_start3A_92 = tpu.memref_slice %arg2[%select_n3A, %dma_start3A_91] : memref<26x16384xi32, #tpu.memory_space<hbm>> -> memref<1x16384xi32, #tpu.memory_space<hbm>>
          %dma_start3A_93 = tpu.memref_squeeze %dma_start3A_92 : memref<1x16384xi32, #tpu.memory_space<hbm>> -> memref<16384xi32, #tpu.memory_space<hbm>>
          %dma_start3A_94 = arith.constant 0 : i32
          %dma_start3A_95 = tpu.memref_slice %arg2[%select_n3A, %dma_start3A_94] : memref<26x16384xi32, #tpu.memory_space<hbm>> -> memref<1x16384xi32, #tpu.memory_space<hbm>>
          %dma_start3A_96 = tpu.memref_squeeze %dma_start3A_95 : memref<1x16384xi32, #tpu.memory_space<hbm>> -> memref<16384xi32, #tpu.memory_space<hbm>>
          tpu.enqueue_dma source(%dma_start3A_96 : memref<16384xi32, #tpu.memory_space<hbm>>) target(%arg9 : memref<16384xi32, #tpu.memory_space<vmem>>) target_semaphore(%run_scoped3A : memref<!tpu.dma_semaphore, #tpu.memory_space<semaphore_mem>>)
          %dma_wait3A_97 = arith.constant 0 : i32
          %dma_wait3A_98 = tpu.memref_slice %arg2[%select_n3A, %dma_wait3A_97] : memref<26x16384xi32, #tpu.memory_space<hbm>> -> memref<1x16384xi32, #tpu.memory_space<hbm>>
          %dma_wait3A_99 = tpu.memref_squeeze %dma_wait3A_98 : memref<1x16384xi32, #tpu.memory_space<hbm>> -> memref<16384xi32, #tpu.memory_space<hbm>>
          %dma_wait3A_100 = arith.constant 0 : i32
          %dma_wait3A_101 = tpu.memref_slice %arg2[%select_n3A, %dma_wait3A_100] : memref<26x16384xi32, #tpu.memory_space<hbm>> -> memref<1x16384xi32, #tpu.memory_space<hbm>>
          %dma_wait3A_102 = tpu.memref_squeeze %dma_wait3A_101 : memref<1x16384xi32, #tpu.memory_space<hbm>> -> memref<16384xi32, #tpu.memory_space<hbm>>
          tpu.wait_dma2 semaphore(%run_scoped3A : memref<!tpu.dma_semaphore, #tpu.memory_space<semaphore_mem>>) src(%dma_wait3A_102 : memref<16384xi32, #tpu.memory_space<hbm>>) dst(%arg9 : memref<16384xi32, #tpu.memory_space<vmem>>)
          tpu.yield
        }) : () -> ()
      } else {
      }
      "tpu.region"() ({
        %run_scoped3A = tpu.sem_alloc : memref<!tpu.dma_semaphore, #tpu.memory_space<semaphore_mem>>
        %dma_start3A_91 = arith.constant 0 : i32
        %dma_start3A_92 = tpu.memref_slice %arg3[%add3A_13, %dma_start3A_91] : memref<416x100000xf32, #tpu.memory_space<hbm>> -> memref<1x100000xf32, #tpu.memory_space<hbm>>
        %dma_start3A_93 = tpu.memref_squeeze %dma_start3A_92 : memref<1x100000xf32, #tpu.memory_space<hbm>> -> memref<100000xf32, #tpu.memory_space<hbm>>
        %dma_start3A_94 = arith.constant 0 : i32
        %dma_start3A_95 = tpu.memref_slice %arg3[%add3A_13, %dma_start3A_94] : memref<416x100000xf32, #tpu.memory_space<hbm>> -> memref<1x100000xf32, #tpu.memory_space<hbm>>
        %dma_start3A_96 = tpu.memref_squeeze %dma_start3A_95 : memref<1x100000xf32, #tpu.memory_space<hbm>> -> memref<100000xf32, #tpu.memory_space<hbm>>
        tpu.enqueue_dma source(%dma_start3A_96 : memref<100000xf32, #tpu.memory_space<hbm>>) target(%arg8 : memref<100000xf32, #tpu.memory_space<vmem>>) target_semaphore(%run_scoped3A : memref<!tpu.dma_semaphore, #tpu.memory_space<semaphore_mem>>)
        %dma_wait3A_97 = arith.constant 0 : i32
        %dma_wait3A_98 = tpu.memref_slice %arg3[%add3A_13, %dma_wait3A_97] : memref<416x100000xf32, #tpu.memory_space<hbm>> -> memref<1x100000xf32, #tpu.memory_space<hbm>>
        %dma_wait3A_99 = tpu.memref_squeeze %dma_wait3A_98 : memref<1x100000xf32, #tpu.memory_space<hbm>> -> memref<100000xf32, #tpu.memory_space<hbm>>
        %dma_wait3A_100 = arith.constant 0 : i32
        %dma_wait3A_101 = tpu.memref_slice %arg3[%add3A_13, %dma_wait3A_100] : memref<416x100000xf32, #tpu.memory_space<hbm>> -> memref<1x100000xf32, #tpu.memory_space<hbm>>
        %dma_wait3A_102 = tpu.memref_squeeze %dma_wait3A_101 : memref<1x100000xf32, #tpu.memory_space<hbm>> -> memref<100000xf32, #tpu.memory_space<hbm>>
        tpu.wait_dma2 semaphore(%run_scoped3A : memref<!tpu.dma_semaphore, #tpu.memory_space<semaphore_mem>>) src(%dma_wait3A_102 : memref<100000xf32, #tpu.memory_space<hbm>>) dst(%arg8 : memref<100000xf32, #tpu.memory_space<vmem>>)
        tpu.yield
      }) : () -> ()
      %parallel_loop3A = arith.constant 0 : i32
      %parallel_loop3A_34 = arith.constant 4096 : i32
      %parallel_loop3A_35 = arith.constant 16 : i32
      scf.for %parallel_loop3A_91 = %parallel_loop3A to %parallel_loop3A_34 step %parallel_loop3A_35  : i32 {
        %parallel_loop3A_92 = arith.constant 0 : i32
        %parallel_loop3A_93 = arith.addi %parallel_loop3A_92, %parallel_loop3A_91 : i32
        %parallel_loop3A_94 = arith.index_cast %parallel_loop3A_93 : i32 to index
        %parallel_loop3A_95 = tpu.vector_load %arg9[%parallel_loop3A_94] {strides = array<i32>} : memref<16384xi32, #tpu.memory_space<vmem>>, vector<16xi32>,
        %parallel_loop3A_96 = tpu.vector_load_idx %arg8[%parallel_loop3A_95] : memref<100000xf32, #tpu.memory_space<vmem>>[vector<16xi32>], vector<16xf32>,
        %parallel_loop3A_97 = arith.index_cast %parallel_loop3A_91 : i32 to index
        %parallel_loop3A_98 = tpu.vector_load %arg10[%parallel_loop3A_97] {strides = array<i32>} : memref<4096xf32, #tpu.memory_space<vmem>>, vector<16xf32>,
        tpu.vector_store %arg10[%parallel_loop3A_97], %parallel_loop3A_96 {strides = array<i32>} : memref<4096xf32, #tpu.memory_space<vmem>>, vector<16xf32>,
      } {sc.loop_unroll_factor = 16 : i64, sc.parallel_access}
      %dma_start3A = arith.constant 0 : i32
      %dma_start3A_36 = tpu.memref_slice %arg7[%add3A_13, %dma_start3A] : memref<429x16384xf32, #tpu.memory_space<hbm>> -> memref<1x4096xf32, #tpu.memory_space<hbm>>
      %dma_start3A_37 = tpu.memref_squeeze %dma_start3A_36 : memref<1x4096xf32, #tpu.memory_space<hbm>> -> memref<4096xf32, #tpu.memory_space<hbm>>
      %dma_start3A_38 = arith.constant 0 : i32
      %dma_start3A_39 = tpu.memref_slice %arg7[%add3A_13, %dma_start3A_38] : memref<429x16384xf32, #tpu.memory_space<hbm>> -> memref<1x4096xf32, #tpu.memory_space<hbm>>
      %dma_start3A_40 = tpu.memref_squeeze %dma_start3A_39 : memref<1x4096xf32, #tpu.memory_space<hbm>> -> memref<4096xf32, #tpu.memory_space<hbm>>
      tpu.enqueue_dma source(%arg10 : memref<4096xf32, #tpu.memory_space<vmem>>) target(%dma_start3A_40 : memref<4096xf32, #tpu.memory_space<hbm>>) target_semaphore(%arg14 : memref<!tpu.dma_semaphore, #tpu.memory_space<semaphore_mem>>)
      %parallel_loop3A_41 = arith.constant 0 : i32
      %parallel_loop3A_42 = arith.constant 4096 : i32
      %parallel_loop3A_43 = arith.constant 16 : i32
      scf.for %parallel_loop3A_91 = %parallel_loop3A_41 to %parallel_loop3A_42 step %parallel_loop3A_43  : i32 {
        %parallel_loop3A_92 = arith.constant 4096 : i32
        %parallel_loop3A_93 = arith.addi %parallel_loop3A_92, %parallel_loop3A_91 : i32
        %parallel_loop3A_94 = arith.index_cast %parallel_loop3A_93 : i32 to index
        %parallel_loop3A_95 = tpu.vector_load %arg9[%parallel_loop3A_94] {strides = array<i32>} : memref<16384xi32, #tpu.memory_space<vmem>>, vector<16xi32>,
        %parallel_loop3A_96 = tpu.vector_load_idx %arg8[%parallel_loop3A_95] : memref<100000xf32, #tpu.memory_space<vmem>>[vector<16xi32>], vector<16xf32>,
        %parallel_loop3A_97 = arith.index_cast %parallel_loop3A_91 : i32 to index
        %parallel_loop3A_98 = tpu.vector_load %arg11[%parallel_loop3A_97] {strides = array<i32>} : memref<4096xf32, #tpu.memory_space<vmem>>, vector<16xf32>,
        tpu.vector_store %arg11[%parallel_loop3A_97], %parallel_loop3A_96 {strides = array<i32>} : memref<4096xf32, #tpu.memory_space<vmem>>, vector<16xf32>,
      } {sc.loop_unroll_factor = 16 : i64, sc.parallel_access}
      %dma_start3A_44 = arith.constant 4096 : i32
      %dma_start3A_45 = tpu.memref_slice %arg7[%add3A_13, %dma_start3A_44] : memref<429x16384xf32, #tpu.memory_space<hbm>> -> memref<1x4096xf32, #tpu.memory_space<hbm>>
      %dma_start3A_46 = tpu.memref_squeeze %dma_start3A_45 : memref<1x4096xf32, #tpu.memory_space<hbm>> -> memref<4096xf32, #tpu.memory_space<hbm>>
      %dma_start3A_47 = arith.constant 4096 : i32
      %dma_start3A_48 = tpu.memref_slice %arg7[%add3A_13, %dma_start3A_47] : memref<429x16384xf32, #tpu.memory_space<hbm>> -> memref<1x4096xf32, #tpu.memory_space<hbm>>
      %dma_start3A_49 = tpu.memref_squeeze %dma_start3A_48 : memref<1x4096xf32, #tpu.memory_space<hbm>> -> memref<4096xf32, #tpu.memory_space<hbm>>
      tpu.enqueue_dma source(%arg11 : memref<4096xf32, #tpu.memory_space<vmem>>) target(%dma_start3A_49 : memref<4096xf32, #tpu.memory_space<hbm>>) target_semaphore(%arg15 : memref<!tpu.dma_semaphore, #tpu.memory_space<semaphore_mem>>)
      %dma_wait3A = arith.constant 0 : i32
      %dma_wait3A_50 = tpu.memref_slice %arg7[%add3A_13, %dma_wait3A] : memref<429x16384xf32, #tpu.memory_space<hbm>> -> memref<1x4096xf32, #tpu.memory_space<hbm>>
      %dma_wait3A_51 = tpu.memref_squeeze %dma_wait3A_50 : memref<1x4096xf32, #tpu.memory_space<hbm>> -> memref<4096xf32, #tpu.memory_space<hbm>>
      %dma_wait3A_52 = arith.constant 0 : i32
      %dma_wait3A_53 = tpu.memref_slice %arg7[%add3A_13, %dma_wait3A_52] : memref<429x16384xf32, #tpu.memory_space<hbm>> -> memref<1x4096xf32, #tpu.memory_space<hbm>>
      %dma_wait3A_54 = tpu.memref_squeeze %dma_wait3A_53 : memref<1x4096xf32, #tpu.memory_space<hbm>> -> memref<4096xf32, #tpu.memory_space<hbm>>
      tpu.wait_dma2 semaphore(%arg14 : memref<!tpu.dma_semaphore, #tpu.memory_space<semaphore_mem>>) src(%arg10 : memref<4096xf32, #tpu.memory_space<vmem>>) dst(%dma_wait3A_54 : memref<4096xf32, #tpu.memory_space<hbm>>)
      %parallel_loop3A_55 = arith.constant 0 : i32
      %parallel_loop3A_56 = arith.constant 4096 : i32
      %parallel_loop3A_57 = arith.constant 16 : i32
      scf.for %parallel_loop3A_91 = %parallel_loop3A_55 to %parallel_loop3A_56 step %parallel_loop3A_57  : i32 {
        %parallel_loop3A_92 = arith.constant 8192 : i32
        %parallel_loop3A_93 = arith.addi %parallel_loop3A_92, %parallel_loop3A_91 : i32
        %parallel_loop3A_94 = arith.index_cast %parallel_loop3A_93 : i32 to index
        %parallel_loop3A_95 = tpu.vector_load %arg9[%parallel_loop3A_94] {strides = array<i32>} : memref<16384xi32, #tpu.memory_space<vmem>>, vector<16xi32>,
        %parallel_loop3A_96 = tpu.vector_load_idx %arg8[%parallel_loop3A_95] : memref<100000xf32, #tpu.memory_space<vmem>>[vector<16xi32>], vector<16xf32>,
        %parallel_loop3A_97 = arith.index_cast %parallel_loop3A_91 : i32 to index
        %parallel_loop3A_98 = tpu.vector_load %arg10[%parallel_loop3A_97] {strides = array<i32>} : memref<4096xf32, #tpu.memory_space<vmem>>, vector<16xf32>,
        tpu.vector_store %arg10[%parallel_loop3A_97], %parallel_loop3A_96 {strides = array<i32>} : memref<4096xf32, #tpu.memory_space<vmem>>, vector<16xf32>,
      } {sc.loop_unroll_factor = 16 : i64, sc.parallel_access}
      %dma_start3A_58 = arith.constant 8192 : i32
      %dma_start3A_59 = tpu.memref_slice %arg7[%add3A_13, %dma_start3A_58] : memref<429x16384xf32, #tpu.memory_space<hbm>> -> memref<1x4096xf32, #tpu.memory_space<hbm>>
      %dma_start3A_60 = tpu.memref_squeeze %dma_start3A_59 : memref<1x4096xf32, #tpu.memory_space<hbm>> -> memref<4096xf32, #tpu.memory_space<hbm>>
      %dma_start3A_61 = arith.constant 8192 : i32
      %dma_start3A_62 = tpu.memref_slice %arg7[%add3A_13, %dma_start3A_61] : memref<429x16384xf32, #tpu.memory_space<hbm>> -> memref<1x4096xf32, #tpu.memory_space<hbm>>
      %dma_start3A_63 = tpu.memref_squeeze %dma_start3A_62 : memref<1x4096xf32, #tpu.memory_space<hbm>> -> memref<4096xf32, #tpu.memory_space<hbm>>
      tpu.enqueue_dma source(%arg10 : memref<4096xf32, #tpu.memory_space<vmem>>) target(%dma_start3A_63 : memref<4096xf32, #tpu.memory_space<hbm>>) target_semaphore(%arg14 : memref<!tpu.dma_semaphore, #tpu.memory_space<semaphore_mem>>)
      %dma_wait3A_64 = arith.constant 4096 : i32
      %dma_wait3A_65 = tpu.memref_slice %arg7[%add3A_13, %dma_wait3A_64] : memref<429x16384xf32, #tpu.memory_space<hbm>> -> memref<1x4096xf32, #tpu.memory_space<hbm>>
      %dma_wait3A_66 = tpu.memref_squeeze %dma_wait3A_65 : memref<1x4096xf32, #tpu.memory_space<hbm>> -> memref<4096xf32, #tpu.memory_space<hbm>>
      %dma_wait3A_67 = arith.constant 4096 : i32
      %dma_wait3A_68 = tpu.memref_slice %arg7[%add3A_13, %dma_wait3A_67] : memref<429x16384xf32, #tpu.memory_space<hbm>> -> memref<1x4096xf32, #tpu.memory_space<hbm>>
      %dma_wait3A_69 = tpu.memref_squeeze %dma_wait3A_68 : memref<1x4096xf32, #tpu.memory_space<hbm>> -> memref<4096xf32, #tpu.memory_space<hbm>>
      tpu.wait_dma2 semaphore(%arg15 : memref<!tpu.dma_semaphore, #tpu.memory_space<semaphore_mem>>) src(%arg11 : memref<4096xf32, #tpu.memory_space<vmem>>) dst(%dma_wait3A_69 : memref<4096xf32, #tpu.memory_space<hbm>>)
      %parallel_loop3A_70 = arith.constant 0 : i32
      %parallel_loop3A_71 = arith.constant 4096 : i32
      %parallel_loop3A_72 = arith.constant 16 : i32
      scf.for %parallel_loop3A_91 = %parallel_loop3A_70 to %parallel_loop3A_71 step %parallel_loop3A_72  : i32 {
        %parallel_loop3A_92 = arith.constant 12288 : i32
        %parallel_loop3A_93 = arith.addi %parallel_loop3A_92, %parallel_loop3A_91 : i32
        %parallel_loop3A_94 = arith.index_cast %parallel_loop3A_93 : i32 to index
        %parallel_loop3A_95 = tpu.vector_load %arg9[%parallel_loop3A_94] {strides = array<i32>} : memref<16384xi32, #tpu.memory_space<vmem>>, vector<16xi32>,
        %parallel_loop3A_96 = tpu.vector_load_idx %arg8[%parallel_loop3A_95] : memref<100000xf32, #tpu.memory_space<vmem>>[vector<16xi32>], vector<16xf32>,
        %parallel_loop3A_97 = arith.index_cast %parallel_loop3A_91 : i32 to index
        %parallel_loop3A_98 = tpu.vector_load %arg11[%parallel_loop3A_97] {strides = array<i32>} : memref<4096xf32, #tpu.memory_space<vmem>>, vector<16xf32>,
        tpu.vector_store %arg11[%parallel_loop3A_97], %parallel_loop3A_96 {strides = array<i32>} : memref<4096xf32, #tpu.memory_space<vmem>>, vector<16xf32>,
      } {sc.loop_unroll_factor = 16 : i64, sc.parallel_access}
      %dma_start3A_73 = arith.constant 12288 : i32
      %dma_start3A_74 = tpu.memref_slice %arg7[%add3A_13, %dma_start3A_73] : memref<429x16384xf32, #tpu.memory_space<hbm>> -> memref<1x4096xf32, #tpu.memory_space<hbm>>
      %dma_start3A_75 = tpu.memref_squeeze %dma_start3A_74 : memref<1x4096xf32, #tpu.memory_space<hbm>> -> memref<4096xf32, #tpu.memory_space<hbm>>
      %dma_start3A_76 = arith.constant 12288 : i32
      %dma_start3A_77 = tpu.memref_slice %arg7[%add3A_13, %dma_start3A_76] : memref<429x16384xf32, #tpu.memory_space<hbm>> -> memref<1x4096xf32, #tpu.memory_space<hbm>>
      %dma_start3A_78 = tpu.memref_squeeze %dma_start3A_77 : memref<1x4096xf32, #tpu.memory_space<hbm>> -> memref<4096xf32, #tpu.memory_space<hbm>>
      tpu.enqueue_dma source(%arg11 : memref<4096xf32, #tpu.memory_space<vmem>>) target(%dma_start3A_78 : memref<4096xf32, #tpu.memory_space<hbm>>) target_semaphore(%arg15 : memref<!tpu.dma_semaphore, #tpu.memory_space<semaphore_mem>>)
      %dma_wait3A_79 = arith.constant 8192 : i32
      %dma_wait3A_80 = tpu.memref_slice %arg7[%add3A_13, %dma_wait3A_79] : memref<429x16384xf32, #tpu.memory_space<hbm>> -> memref<1x4096xf32, #tpu.memory_space<hbm>>
      %dma_wait3A_81 = tpu.memref_squeeze %dma_wait3A_80 : memref<1x4096xf32, #tpu.memory_space<hbm>> -> memref<4096xf32, #tpu.memory_space<hbm>>
      %dma_wait3A_82 = arith.constant 8192 : i32
      %dma_wait3A_83 = tpu.memref_slice %arg7[%add3A_13, %dma_wait3A_82] : memref<429x16384xf32, #tpu.memory_space<hbm>> -> memref<1x4096xf32, #tpu.memory_space<hbm>>
      %dma_wait3A_84 = tpu.memref_squeeze %dma_wait3A_83 : memref<1x4096xf32, #tpu.memory_space<hbm>> -> memref<4096xf32, #tpu.memory_space<hbm>>
      tpu.wait_dma2 semaphore(%arg14 : memref<!tpu.dma_semaphore, #tpu.memory_space<semaphore_mem>>) src(%arg10 : memref<4096xf32, #tpu.memory_space<vmem>>) dst(%dma_wait3A_84 : memref<4096xf32, #tpu.memory_space<hbm>>)
      %dma_wait3A_85 = arith.constant 12288 : i32
      %dma_wait3A_86 = tpu.memref_slice %arg7[%add3A_13, %dma_wait3A_85] : memref<429x16384xf32, #tpu.memory_space<hbm>> -> memref<1x4096xf32, #tpu.memory_space<hbm>>
      %dma_wait3A_87 = tpu.memref_squeeze %dma_wait3A_86 : memref<1x4096xf32, #tpu.memory_space<hbm>> -> memref<4096xf32, #tpu.memory_space<hbm>>
      %dma_wait3A_88 = arith.constant 12288 : i32
      %dma_wait3A_89 = tpu.memref_slice %arg7[%add3A_13, %dma_wait3A_88] : memref<429x16384xf32, #tpu.memory_space<hbm>> -> memref<1x4096xf32, #tpu.memory_space<hbm>>
      %dma_wait3A_90 = tpu.memref_squeeze %dma_wait3A_89 : memref<1x4096xf32, #tpu.memory_space<hbm>> -> memref<4096xf32, #tpu.memory_space<hbm>>
      tpu.wait_dma2 semaphore(%arg15 : memref<!tpu.dma_semaphore, #tpu.memory_space<semaphore_mem>>) src(%arg11 : memref<4096xf32, #tpu.memory_space<vmem>>) dst(%dma_wait3A_90 : memref<4096xf32, #tpu.memory_space<hbm>>)
      scf.yield %select_n3A : i32
    }
    %scan3A_10 = arith.constant 13 : i32
    return
  }
}

</mosaic_0001>

<sc_bundles>
// kernel: kernel.3.cloned.1.call-start
scs
__scs_entry_jumppad:
0x0: {  	(pc) =	sbr.rel $0x88, $3  }
0x1: {  	(tag) =	ssettag $0x0;
	lr =	simm.s32 $0x1  }
0x2: {  	[smem:$0x3F9C] =	sst lr;
	_ =	strace $0xD0000000  }
0x3: {  	_ = 	snop  }
0x4: {  	_ = 	snop  }
0x5: {  	_ = 	snop  }
0x6: {  	_ = 	snop  }
0x7: {  	_ = 	snop  }
__scs_overlays_trampoline_lowered:
0x8: {  	[smem:$0x3FAB] =	sst s0  }
0x9: {  	[smem:$0x3FAC] =	sst s1  }
0xa: {  	[smem:$0x3FAD] =	sst s2  }
0xb: {  	[smem:$0x3FAE] =	sst s3  }
0xc: {  	[smem:$0x3FAF] =	sst s4  }
0xd: {  	[smem:$0x3FB0] =	sst s5  }
0xe: {  	[smem:$0x3FB1] =	sst s6  }
0xf: {  	[smem:$0x3FB2] =	sst s7  }
0x10: {  	[smem:$0x3FB3] =	sst s8  }
0x11: {  	[smem:$0x3FB4] =	sst s9;
	s0 =	simm.s32 @!p0 $0x0  }
0x12: {  	s1 =	sld [smem:$0x3F9A];
	s0 =	simm.s32 @p0 $0x1  }
0x13: {  	[smem:$0x3FB5] =	sst s0;
	s0 =	simm.s32 @!p1 $0x0  }
0x14: {  	s2 =	sld [smem:$0x3F99];
	s0 =	simm.s32 @p1 $0x1  }
0x15: {  	[smem:$0x3FB6] =	sst s0;
	s0 =	simm.s32 @!p2 $0x0  }
0x16: {  	s3 =	sld [smem:$0x3FDB];
	s0 =	simm.s32 @p2 $0x1  }
0x17: {  	s4 =	simm.s32 $0x1BF5;
	[smem:$0x3FB8] =	sst s0  }
0x18: {  	s0 =	sld [smem:$0x3F9B];
	_ =	swait.ge [sflag:s4], $0x0  }
0x19: {  	s7 =	sld [smem:$0x3F9C]  }
0x1a: {  	s8 =	sadd.s32 $0xFFFFE003, lr  }
0x1b: {  	s9 =	sadd.s32 $0xFFFFFEF7, lr;
	s5 =	simm.s32 $0xFFFFFFFF;
	p2 =	slt.u32 s8, $0xFFFFF086  }
0x1c: {  	p1 =	slt.u32 s9, $0xF7A;
	s5 =	simm.s32 @!p2 $0x0  }
0x1d: {  	s5 =	simm.s32 @p1 $0x1;
	p0 =	seq.s32 s7, s2  }
0x1e: {  	s7 =	smul.u32 @!p0 $0xF7A, s2;
	p2 =	seq.s32 @!p0 s5, $0x0  }
0x1f: {  	s9 =	smul.u32 $0xF7A, s1;
	s8 =	simm.s32 @!p0 $0x1BF5;
	p2 =	por !p2, p0  }
0x20: {  	[sflag:s8] =	ssyncset.s32 @!p0 $0xFFFFF086;
	s6 =	sadd.s32 @!p0 s3, s7;
	s7 =	simm.s32 @!p0 $0x108  }
0x21: {  	s3 =	sadd.s32 s3, s9;
	s6 =	sadd.s32 @!p0 $0x88, s6;
	s7 =	simm.s32 @p2 $0x1082  }
0x22: {  	[simem:s7], [sflag:s8] =	dma.local @!p0 [hbm:s6], $0xF7A  }
0x23: {  	s9 =	sor.u32 $0xD0000000, s2;
	s6 =	simm.s32 $0x108;
	_ =	swait.ge @!p0 [sflag:s8], $0x0  }
0x24: {  	s3 =	sadd.s32 $0x88, s3;
	s6 =	simm.s32 @!p1 $0x1082;
	[sflag:s4] =	ssyncset.s32 $0xFFFFF086  }
0x25: {  	[simem:s6], [sflag:s4] =	dma.local [hbm:s3], $0xF7A  }
0x26: {  	[smem:$0x3F9C] =	sst s1;
	(tag) =	ssettag s2;
	_ =	strace s9  }
0x27: {  	s1 =	sld [smem:$0x3FAC]  }
0x28: {  	s2 =	sld [smem:$0x3FAD]  }
0x29: {  	s4 =	sld [smem:$0x3FAF]  }
0x2a: {  	p0 =	seq.s32 s5, $0x0;
	s5 =	sld [smem:$0x3FB0]  }
0x2b: {  	s6 =	sld [smem:$0x3FB1]  }
0x2c: {  	s7 =	sld [smem:$0x3FB2]  }
0x2d: {  	s3 =	simm.s32 $0x108;
	s8 =	sld [smem:$0x3FB3]  }
0x2e: {  	s3 =	simm.s32 @!p0 $0x1082;
	s9 =	sld [smem:$0x3FB4]  }
0x2f: {  	lr =	sadd.s32 s0, s3;
	s0 =	sld [smem:$0x3FAB]  }
0x30: {  	s3 =	sld [smem:$0x3FAE]  }
0x31: {  	[smem:$0x3FB7] =	sst s10  }
0x32: {  	s10 =	sld [smem:$0x3FB5];
	_ =	sdelay $0x3  }
0x33: {  	p0 =	seq.s32 s10, $0x1;
	s10 =	sld [smem:$0x3FB7];
	_ =	sdelay $0x3  }
0x34: {  	[smem:$0x3FB7] =	sst s10  }
0x35: {  	s10 =	sld [smem:$0x3FB6];
	_ =	sdelay $0x3  }
0x36: {  	p1 =	seq.s32 s10, $0x1;
	s10 =	sld [smem:$0x3FB7];
	_ =	sdelay $0x3  }
0x37: {  	[smem:$0x3FB7] =	sst s10  }
0x38: {  	s10 =	sld [smem:$0x3FB8]  }
0x39: {  	_ = 	snop;
	(pc) =	sbr.ind lr, $3  }
0x3a: {  	_ = 	snop  }
0x3b: {  	_ = 	snop  }
0x3c: {  	p2 =	seq.s32 s10, $0x1;
	s10 =	sld [smem:$0x3FB7]  }
0x3d: {  	_ =	shalt  }
0x3e: {  	_ =	shalt  }
0x3f: {  	_ =	shalt  }
0x40: {  	_ =	shalt  }
0x41: {  	_ =	shalt  }
0x42: {  	_ =	shalt  }
0x43: {  	_ =	shalt  }
0x44: {  	_ =	shalt  }
0x45: {  	_ =	shalt  }
0x46: {  	_ =	shalt  }
0x47: {  	_ =	shalt  }
0x48: {  	_ =	shalt  }
0x49: {  	_ =	shalt  }
0x4a: {  	_ =	shalt  }
0x4b: {  	_ =	shalt  }
0x4c: {  	_ =	shalt  }
0x4d: {  	_ =	shalt  }
0x4e: {  	_ =	shalt  }
0x4f: {  	_ =	shalt  }
0x50: {  	_ =	shalt  }
0x51: {  	_ =	shalt  }
0x52: {  	_ =	shalt  }
0x53: {  	_ =	shalt  }
0x54: {  	_ =	shalt  }
0x55: {  	_ =	shalt  }
0x56: {  	_ =	shalt  }
0x57: {  	_ =	shalt  }
0x58: {  	_ =	shalt  }
0x59: {  	_ =	shalt  }
0x5a: {  	_ =	shalt  }
0x5b: {  	_ =	shalt  }
0x5c: {  	_ =	shalt  }
0x5d: {  	_ =	shalt  }
0x5e: {  	_ =	shalt  }
0x5f: {  	_ =	shalt  }
0x60: {  	_ =	shalt  }
0x61: {  	_ =	shalt  }
0x62: {  	_ =	shalt  }
0x63: {  	_ =	shalt  }
0x64: {  	_ =	shalt  }
0x65: {  	_ =	shalt  }
0x66: {  	_ =	shalt  }
0x67: {  	_ =	shalt  }
0x68: {  	_ =	shalt  }
0x69: {  	_ =	shalt  }
0x6a: {  	_ =	shalt  }
0x6b: {  	_ =	shalt  }
0x6c: {  	_ =	shalt  }
0x6d: {  	_ =	shalt  }
0x6e: {  	_ =	shalt  }
0x6f: {  	_ =	shalt  }
0x70: {  	_ =	shalt  }
0x71: {  	_ =	shalt  }
0x72: {  	_ =	shalt  }
0x73: {  	_ =	shalt  }
0x74: {  	_ =	shalt  }
0x75: {  	_ =	shalt  }
0x76: {  	_ =	shalt  }
0x77: {  	_ =	shalt  }
0x78: {  	_ =	shalt  }
0x79: {  	_ =	shalt  }
0x7a: {  	_ =	shalt  }
0x7b: {  	_ =	shalt  }
0x7c: {  	_ =	shalt  }
0x7d: {  	_ =	shalt  }
0x7e: {  	_ =	shalt  }
0x7f: {  	_ =	shalt  }
0x80: {  	_ =	shalt  }
0x81: {  	_ =	shalt  }
0x82: {  	_ =	shalt  }
0x83: {  	_ =	shalt  }
0x84: {  	_ =	shalt  }
0x85: {  	_ =	shalt  }
0x86: {  	_ =	shalt  }
0x87: {  	_ =	shalt  }
.Lfunc_end0:
.L_simem_size_0:
called_computation_lowered:
.L_overlay_start_0:
0x88: {  	s2 =	sld [smem:$0x3FD9]  }
0x89: {  	s3 =	sld [smem:$0x3FFE];
	_ =	sdelay $0x1  }
0x8a: {  	s1 =	srdreg.scid  }
0x8b: {  	s0 =	sand.u32 $0x1, s1  }
0x8c: {  	s17 =	sshll.u32 s0, $0xA;
	s2 =	sadd.s32 s3, s2  }
0x8d: {  	s2 =	sadd.s32 s2, s17  }
0x8e: {  	[smem:$0x3FC3] =	sst s2  }
0x8f: {  	_ = 	snop  }
0x90: {  	s2 =	sld [smem:$0x3FC9]  }
0x91: {  	s18 =	sld [smem:$0x3FC8]  }
0x92: {  	s4 =	sld [smem:$0x3FC7]  }
0x93: {  	s5 =	sld [smem:$0x3FD0];
	(tm) =	ssettm $0x1  }
0x94: {  	s6 =	sld [smem:$0x3FFB];
	_ =	sdelay $0x3  }
0x95: {  	_ =	strace s6  }
0x96: {  	s6 =	sld [smem:$0x3FFC];
	_ =	sdelay $0x3  }
0x97: {  	_ =	strace s6  }
0x98: {  	s6 =	sld [smem:$0x3FFD];
	_ =	sdelay $0x3  }
0x99: {  	_ =	strace s6  }
0x9a: {  	_ =	strace $0x8FFFFFFF  }
0x9b: {  	s19 =	sld [smem:$0x3FDB];
	_ =	sdelay $0x1  }
0x9c: {  	s7 =	simm.s32 $_scs_section_size  }
0x9d: {  	s8 =	simm.s32 $_size__tile_overlayer_lowered;
	s9 =	simm.s32 $_tile_overlayer_lowered  }
0x9e: {  	s22 =	simm.s32 $0x1BFF;
	s21 =	sshll.u32 s9, $0x1;
	s6 =	sadd.s32 s7, s19  }
0x9f: {  	s10 =	simm.s32 $0x0;
	s20 =	sshll.u32 s8, $0x1;
	s8 =	sadd.s32 s21, s6  }
0xa0: {  	[timem:s10], [sflag:s22] =	dma.local [hbm:s8], s20  }
0xa1: {  	_ =	swait.ge [sflag:s22], s20  }
0xa2: {  	s7 =	ssub.s32 $0x0, s20;
	[sflag:s22] =	ssyncset.done $0x0  }
0xa3: {  	[sflag:s22] =	ssyncadd.s32 s7;
	_ =	sdelay $0x1  }
0xa4: {  	s23 =	simm.s32 $0x1B8B  }
0xa5: {  	_ =	swait.ge [sflag:s23], $0x1  }
0xa6: {  	[sflag:s23] =	ssyncset.done $0x0  }
0xa7: {  	s25 =	simm.s32 $0x1B8E;
	s24 =	sld [smem:$0x3FFE];
	[sflag:s23] =	ssyncadd.s32 $0xFFFFFFFF  }
0xa8: {  	s26 =	simm.s32 $execute0_lowered;
	[smem:$0x3FD2] =	sst s25  }
0xa9: {  	s8 =	sshll.u32 s26, $0x1;
	_ =	strace $0x80000046;
	[dreg:$0x1] =	wrdreg $0xFFFFFFFF  }
0xaa: {  	s28 =	simm.s32 $_size_execute0_lowered;
	s6 =	sadd.s32 s6, s8;
	[dreg:$0x0] =	wrdreg $0x0  }
0xab: {  	s8 =	sshll.u32 s28, $0x1;
	[dreg:$0x2] =	wrdreg s6  }
0xac: {  	[dreg:$0x3] =	wrdreg s8  }
0xad: {  	[dreg:$0x4] =	wrdreg $0xC0  }
0xae: {  	_ =	task [dreg:s10], $0x5FFFF  }
0xaf: {  	[dreg:$0x1] =	wrdreg $0xFFFFFFFF  }
0xb0: {  	[dreg:$0x0] =	wrdreg $0x60  }
0xb1: {  	[dreg:$0x2] =	wrdreg s2  }
0xb2: {  	[dreg:$0x3] =	wrdreg s4  }
0xb3: {  	[dreg:$0x4] =	wrdreg s18  }
0xb4: {  	[dreg:$0x5] =	wrdreg s24  }
0xb5: {  	[dreg:$0x6] =	wrdreg s5  }
0xb6: {  	[dreg:$0x7] =	wrdreg $0x9  }
0xb7: {  	_ =	task.clear_ibuf [dreg:s10], $0x8FFFF;
	_ =	strace $0x90000046  }
0xb8: {  	s29 =	simm.s32 $0x9;
	_ =	strace $0x80000048  }
0xb9: {  	_ =	swait.ge [sflag:s29], $0x1  }
0xba: {  	[sflag:s29] =	ssyncadd.s32 $0xFFFFFFFF  }
0xbb: {  	_ =	strace $0x90000048  }
0xbc: {  	_ =	sfence  }
0xbd: {  	s30 =	sld [smem:$0x0];
	_ =	sdelay $0x2  }
0xbe: {  	s31 =	sshll.u32 s1, $0xD;
	s1 =	sshrl.u32 s1, $0x2  }
0xbf: {  	s3 =	sand.u32 $0x4000, s31;
	s1 =	sadd.s32 s1, s30  }
0xc0: {  	s0 =	sor.u32 s3, s0;
	s1 =	sshll.u32 s1, $0x11  }
0xc1: {  	s0 =	sor.u32 s1, s0  }
0xc2: {  	s0 =	sadd.s32 $0x8F2B, s0  }
0xc3: {  	[sflag:s0] =	ssyncadd.remote.s32 $0x1  }
0xc4: {  	_ =	sfence.sel $0xFFFF  }
0xc5: {  	[dreg:$0x0] =	wrdreg $0xFFFFFFFF;
	(pc) =	sbr.abs _section_cstart, $3  }
0xc6: {  	[dreg:$0x1] =	wrdreg $0xFFFFFFFF  }
0xc7: {  	_ =	task.clear_ibuf [dreg:s10], $0x2FFFF;
	_ =	strace $0x9FFFFFFF  }
0xc8: {  	(tm) =	ssettm $0x7FFFFFFF  }
0xc9: {  	_ =	shalt  }
tec
execute0_lowered:
.L_overlay_start_1:
0x0: {  	(tag) =	ssettag $0x1  }
0x1: {  	s1 =	rddreg [dreg:$0x0]  }
0x2: {  	s2 =	rddreg [dreg:$0x1]  }
0x3: {  	s0 =	rddreg [dreg:$0x2]  }
0x4: {  	s7 =	rddreg [dreg:$0x3]  }
0x5: {  	s3 =	rddreg [dreg:$0x4];
	s5 =	simm.s32 $0x0;
	s6 =	srdreg.scid  }
0x6: {  	s4 =	stileid.u32;
	s16 =	simm.s32 $0x400;
	s17 =	simm.s32 $0x3  }
0x7: {  	s18 =	simm.s32 $0x1E700;
	s19 =	simm.s32 $0x1E780;
	s20 =	simm.s32 $0x1C700  }
0x8: {  	s21 =	simm.s32 $0x1D700;
	s23 =	simm.s32 $0x2;
	s24 =	simm.s32 $0x0  }
0x9: {  	[smem:$0x7FF] =	sst s5;
	s8 =	sand.u32 $0x1, s6;
	s10 =	sshll.u32 s4, $0x1  }
0xa: {  	s6 =	sadd.s32 $0x400, s7;
	s7 =	sadd.s32 $0x600, s7;
	s12 =	sadd.s32 $0x2000, s3  }
0xb: {  	s13 =	sadd.s32 $0x3000, s3;
	s9 =	ssub.s32 $0x2, s8;
	s15 =	sor.u32 s8, s10  }
0xc: {  	_ =	strace $0x80000047;
	s11 =	sshrl.u32 s9, $0x1;
	s22 =	sadd.s32 $0xFFFFFFED, s15  }
0xd: {  	s8 =	sadd.s32 $0x18D, s15;
	p0 =	slt.u32 s15, $0x13;
	s14 =	ssub.s32 s9, s11  }
0xe: {  	s26 =	sshll.u32 s22, $0xE;
	s28 =	sshll.u32 s22, $0x7;
	s29 =	sshll.u32 s8, $0xB  }
0xf: {  	s8 =	sshll.u32 s8, $0x4;
	s11 =	sadd.s32 $0x1000, s3;
	v0 =	vmov s22;
	s22 =	simm.s32 $0x1  }
0x10: {  	s9 =	sand.u32 $0x7FFE0000, s26;
	s10 =	sand.u32 $0x380, s28;
	s30 =	sand.u32 $0xDC000, s29  }
0x11: {  	s31 =	sand.u32 $0x70, s8;
	s8 =	smul.u32 $0xD, s15;
	s9 =	sor.u32 s10, s9  }
0x12: {  	s14 =	smax.u32 s14, $0x1;
	s10 =	sadd.s32 s3, s30;
	s9 =	sshrl.u32 s9, $0x3  }
0x13: {  	s15 =	simm.s32 $0x80;
	s10 =	sadd.s32 s31, s10;
	s9 =	sadd.s32 s0, s9  }
.LBB2_1:
.Ltmp0:
0x14: {  	(pc) =	sbr.rel @p0 .LBB2_8-.Ltmp0, $1  }
0x15: {  	_ =	sdelay $0x3  }
0x16: {  	s0 =	simm.s32 $0x0  }
0x17: {  	[tilespmem:s0], [sflag:$0x3] =	stream.strided.gather [hbm4b:s9+s15], $0x4000, s16, s15, $0x38;
	[tilespmem:$0x1E800] =	vst v63  }
0x18: {  	_ =	swait.ge [sflag:s17], $0x4000  }
0x19: {  	[sflag:s17] =	ssyncset.done $0x0  }
0x1a: {  	[sflag:s17] =	ssyncadd.s32 $0xFFFFC000  }
0x1b: {  	[tilespmem:s18], [sflag:$0x3] =	stream.linear.gather [hbm4b:s6+s0], $0x80, $0x38;
	[tilespmem:$0x1E800] =	vst v63  }
0x1c: {  	_ =	swait.ge [sflag:s17], $0x80  }
0x1d: {  	[sflag:s17] =	ssyncset.done $0x0  }
0x1e: {  	[sflag:s17] =	ssyncadd.s32 $0xFFFFFF80  }
0x1f: {  	[tilespmem:s19], [sflag:$0x3] =	stream.linear.gather [hbm4b:s7+s0], $0x80, $0x38;
	[tilespmem:$0x1E800] =	vst v63  }
0x20: {  	_ =	swait.ge [sflag:s17], $0x80  }
0x21: {  	[sflag:s17] =	ssyncset.done $0x0  }
0x22: {  	s25 =	simm.s32 $0x0;
	[sflag:s17] =	ssyncadd.s32 $0xFFFFFF80  }
0x23: {  	v3 =	vld [tilespmem:s25+$0x0]  }
0x24: {  	v1 =	vimm.f32 $0.0e+00;
	v2 =	vimm.f32 $0.0e+00;
	s0 =	simm.s32 $0x40  }
.LBB2_3:
0x25: {  	p1 =	sne.s32 s0, $0xFFC0  }
.Ltmp1:
0x26: {  	_ = 	snop;
	(pc) =	sbr.rel @p1 .LBB2_3-.Ltmp1, $4  }
0x27: {  	_ = 	snop  }
0x28: {  	s25 =	sshra.s32 s0, $0x2;
	s0 =	sadd.s32 $0x40, s0;
	v1 =	vadd.f32 v3, v1;
	v4 =	vmul.f32 v3, v3  }
0x29: {  	v3 =	vld [tilespmem:s25+$0x0]  }
0x2a: {  	v2 =	vadd.f32 v4, v2  }
0x2b: {  	_ =	sdelay $0x2  }
0x2c: {  	v4 =	vmul.f32 v3, v3  }
0x2d: {  	v1 =	vadd.f32 v3, v1  }
0x2e: {  	v2 =	vadd.f32 v4, v2  }
0x2f: {  	(xrf2) =	vadd.scan.msk.f32 $0xffff, v1  }
0x30: {  	(xrf2) =	vadd.scan.msk.f32 $0xffff, v2;
	_ =	sdelay $0x8  }
0x31: {  	v1, _, _ =	vpop (xrf2)  }
0x32: {  	(v2sf) =	vpush v1, $0xF;
	v1, _, _ =	vpop (xrf2)  }
0x33: {  	(v2sf) =	vpush v1, $0xF;
	_ =	sdelay $0xd  }
0x34: {  	s0 =	spop (v2sf)  }
0x35: {  	s0 =	smul.f32 $6.103515630e-05, s0;
	s25 =	spop (v2sf)  }
0x36: {  	s25 =	smul.f32 $6.103515630e-05, s25  }
0x37: {  	s26 =	smul.f32 s0, s0;
	_ =	sdelay $0x1  }
0x38: {  	s25 =	ssub.f32 s25, s26;
	_ =	sdelay $0x1  }
0x39: {  	s25 =	sadd.f32 $9.999999740e-06, s25;
	_ =	sdelay $0x1  }
0x3a: {  	v1 =	vmov s25  }
0x3b: {  	v2 =	vshra.s32 v1, $0x1;
	v1 =	vmul.f32 $5.000000000e-01, v1  }
0x3c: {  	v2 =	vsub.s32 $0x5F3759DF, v2  }
0x3d: {  	v3 =	vmul.f32 v2, v1;
	_ =	sdelay $0x1  }
0x3e: {  	v3 =	vmul.f32 v2, v3;
	_ =	sdelay $0x1  }
0x3f: {  	v3 =	vsub.f32 $1.500000000e+00, v3;
	_ =	sdelay $0x1  }
0x40: {  	v2 =	vmul.f32 v2, v3;
	_ =	sdelay $0x1  }
0x41: {  	v3 =	vmul.f32 v2, v1;
	_ =	sdelay $0x1  }
0x42: {  	v3 =	vmul.f32 v3, v2;
	_ =	sdelay $0x1  }
0x43: {  	v3 =	vsub.f32 $1.500000000e+00, v3;
	_ =	sdelay $0x1  }
0x44: {  	v2 =	vmul.f32 v3, v2;
	_ =	sdelay $0x1  }
0x45: {  	v3 =	vmul.f32 v2, v1;
	_ =	sdelay $0x1  }
0x46: {  	v3 =	vmul.f32 v3, v2;
	_ =	sdelay $0x1  }
0x47: {  	v3 =	vsub.f32 $1.500000000e+00, v3;
	_ =	sdelay $0x1  }
0x48: {  	v2 =	vmul.f32 v3, v2;
	_ =	sdelay $0x1  }
0x49: {  	v1 =	vmul.f32 v2, v1;
	_ =	sdelay $0x1  }
0x4a: {  	v1 =	vmul.f32 v1, v2  }
0x4b: {  	v3 =	vld.idx.msk [tilespmem:v0+s18+$0x0], $0xffff  }
0x4c: {  	v1 =	vsub.f32 $1.500000000e+00, v1;
	_ =	sdelay $0x1  }
0x4d: {  	v1 =	vmul.f32 v1, v2  }
0x4e: {  	v2 =	vld.idx.msk [tilespmem:v0+s19+$0x0], $0xffff  }
0x4f: {  	v1 =	vmul.f32 v3, v1;
	_ =	sdelay $0x1  }
0x50: {  	v3 =	vmul.f32 s0, v1;
	_ =	sdelay $0x1  }
0x51: {  	s26 =	simm.s32 $0x40;
	s25 =	simm.s32 $0x0;
	v2 =	vsub.f32 v2, v3  }
.LBB2_5:
0x52: {  	v3 =	vld [tilespmem:s26+$0xFFFFFFC0];
	_ =	sdelay $0x4  }
0x53: {  	v3 =	vmul.f32 v3, v1;
	_ =	sdelay $0x1  }
0x54: {  	v3 =	vadd.f32 v3, v2  }
0x55: {  	s28 =	simm.s32 $0x1C740  }
0x56: {  	[tilespmem:s28+$0xFFFFFFC0] =	vst v3  }
0x57: {  	v3 =	vld [tilespmem:s26+$0xFFFFFFD0];
	_ =	sdelay $0x4  }
0x58: {  	v3 =	vmul.f32 v3, v1;
	_ =	sdelay $0x1  }
0x59: {  	v3 =	vadd.f32 v3, v2;
	_ =	sdelay $0x1  }
0x5a: {  	[tilespmem:s28+$0xFFFFFFD0] =	vst v3  }
0x5b: {  	v3 =	vld [tilespmem:s26+$0xFFFFFFE0];
	_ =	sdelay $0x4  }
0x5c: {  	v3 =	vmul.f32 v3, v1;
	_ =	sdelay $0x1  }
0x5d: {  	v3 =	vadd.f32 v3, v2;
	_ =	sdelay $0x1  }
0x5e: {  	[tilespmem:s28+$0xFFFFFFE0] =	vst v3  }
0x5f: {  	v3 =	vld [tilespmem:s26+$0xFFFFFFF0];
	_ =	sdelay $0x4  }
0x60: {  	v3 =	vmul.f32 v3, v1;
	_ =	sdelay $0x1  }
0x61: {  	v3 =	vadd.f32 v3, v2;
	_ =	sdelay $0x1  }
0x62: {  	[tilespmem:s28+$0xFFFFFFF0] =	vst v3  }
0x63: {  	v3 =	vld [tilespmem:s26+$0x0];
	_ =	sdelay $0x4  }
0x64: {  	v3 =	vmul.f32 v3, v1;
	_ =	sdelay $0x1  }
0x65: {  	v3 =	vadd.f32 v3, v2;
	_ =	sdelay $0x1  }
0x66: {  	[tilespmem:s28+$0x0] =	vst v3  }
0x67: {  	v3 =	vld [tilespmem:s26+$0x10];
	_ =	sdelay $0x4  }
0x68: {  	v3 =	vmul.f32 v3, v1;
	_ =	sdelay $0x1  }
0x69: {  	v3 =	vadd.f32 v3, v2;
	_ =	sdelay $0x1  }
0x6a: {  	[tilespmem:s28+$0x10] =	vst v3  }
0x6b: {  	v3 =	vld [tilespmem:s26+$0x20];
	_ =	sdelay $0x4  }
0x6c: {  	v3 =	vmul.f32 v3, v1;
	_ =	sdelay $0x1  }
0x6d: {  	v3 =	vadd.f32 v3, v2;
	_ =	sdelay $0x1  }
0x6e: {  	[tilespmem:s28+$0x20] =	vst v3  }
0x6f: {  	v3 =	vld [tilespmem:s26+$0x30];
	_ =	sdelay $0x4  }
0x70: {  	v3 =	vmul.f32 v3, v1;
	_ =	sdelay $0x1  }
0x71: {  	v3 =	vadd.f32 v3, v2;
	_ =	sdelay $0x1  }
0x72: {  	s29 =	simm.s32 $0x0;
	s30 =	sadd.s32 $0x80, s26;
	[tilespmem:s28+$0x30] =	vst v3  }
.LBB2_6:
0x73: {  	v3 =	vld [tilespmem:s30+$0xFFFFFFC0];
	s29 =	sadd.s32 $0x8, s29  }
0x74: {  	p1 =	slt.u32 s29, $0xF8;
	_ =	sdelay $0x3  }
0x75: {  	v3 =	vmul.f32 v3, v1;
	_ =	sdelay $0x1  }
0x76: {  	v3 =	vadd.f32 v3, v2  }
0x77: {  	s28 =	sadd.s32 $0x80, s28  }
0x78: {  	[tilespmem:s28+$0xFFFFFFC0] =	vst v3  }
0x79: {  	v3 =	vld [tilespmem:s30+$0xFFFFFFD0];
	_ =	sdelay $0x4  }
0x7a: {  	v3 =	vmul.f32 v3, v1;
	_ =	sdelay $0x1  }
0x7b: {  	v3 =	vadd.f32 v3, v2;
	_ =	sdelay $0x1  }
0x7c: {  	[tilespmem:s28+$0xFFFFFFD0] =	vst v3  }
0x7d: {  	v3 =	vld [tilespmem:s30+$0xFFFFFFE0];
	_ =	sdelay $0x4  }
0x7e: {  	v3 =	vmul.f32 v3, v1;
	_ =	sdelay $0x1  }
0x7f: {  	v3 =	vadd.f32 v3, v2;
	_ =	sdelay $0x1  }
0x80: {  	[tilespmem:s28+$0xFFFFFFE0] =	vst v3  }
0x81: {  	v3 =	vld [tilespmem:s30+$0xFFFFFFF0];
	_ =	sdelay $0x4  }
0x82: {  	v3 =	vmul.f32 v3, v1;
	_ =	sdelay $0x1  }
0x83: {  	v3 =	vadd.f32 v3, v2;
	_ =	sdelay $0x1  }
0x84: {  	[tilespmem:s28+$0xFFFFFFF0] =	vst v3  }
0x85: {  	v3 =	vld [tilespmem:s30+$0x0];
	_ =	sdelay $0x4  }
0x86: {  	v3 =	vmul.f32 v3, v1;
	_ =	sdelay $0x1  }
0x87: {  	v3 =	vadd.f32 v3, v2;
	_ =	sdelay $0x1  }
0x88: {  	[tilespmem:s28+$0x0] =	vst v3  }
0x89: {  	v3 =	vld [tilespmem:s30+$0x10];
	_ =	sdelay $0x4  }
0x8a: {  	v3 =	vmul.f32 v3, v1;
	_ =	sdelay $0x1  }
0x8b: {  	v3 =	vadd.f32 v3, v2;
	_ =	sdelay $0x1  }
0x8c: {  	[tilespmem:s28+$0x10] =	vst v3  }
0x8d: {  	v3 =	vld [tilespmem:s30+$0x20];
	_ =	sdelay $0x4  }
0x8e: {  	v3 =	vmul.f32 v3, v1;
	_ =	sdelay $0x1  }
0x8f: {  	v3 =	vadd.f32 v3, v2;
	_ =	sdelay $0x1  }
0x90: {  	[tilespmem:s28+$0x20] =	vst v3  }
0x91: {  	v3 =	vld [tilespmem:s30+$0x30];
	_ =	sdelay $0x4  }
.Ltmp2:
0x92: {  	v3 =	vmul.f32 v3, v1;
	(pc) =	sbr.rel @p1 .LBB2_6-.Ltmp2, $3  }
0x93: {  	_ = 	snop  }
0x94: {  	v3 =	vadd.f32 v3, v2;
	_ =	sdelay $0x1  }
0x95: {  	s30 =	sadd.s32 $0x80, s30;
	[tilespmem:s28+$0x30] =	vst v3  }
0x96: {  	s0 =	sshll.u32 s25, $0xC;
	s25 =	sadd.s32 $0x1, s25  }
0x97: {  	p1 =	sne.s32 s25, $0x4  }
.Ltmp3:
0x98: {  	s0 =	sadd.s32 s0, s10;
	(pc) =	sbr.rel @p1 .LBB2_5-.Ltmp3, $4  }
0x99: {  	[hbm4b:s0+s15] =	stream.strided.scatter [tilespmem:s20], [sflag:$0x3], $0x1000, s16, s15, $0x38;
	[tilespmem:$0x1E800] =	vst v63  }
0x9a: {  	_ =	swait.ge [sflag:s17], $0x1000  }
0x9b: {  	[sflag:s17] =	ssyncset.done $0x0  }
0x9c: {  	s26 =	sadd.s32 $0x1000, s26;
	[sflag:s17] =	ssyncadd.s32 $0xFFFFF000  }
.LBB2_8:
0x9d: {  	s25 =	simm.s32 $0x0;
	s26 =	simm.s32 $0xFFFFFFFF  }
.LBB2_9:
0x9e: {  	s29 =	sadd.s32 s8, s25  }
0x9f: {  	s0 =	smov.u32 s26;
	s26 =	sshrl.u32 s29, $0x4  }
0xa0: {  	p1 =	seq.s32 s26, s0  }
0xa1: {  	s0 =	sshll.u32 @!p1 s26, $0xB;
	s28 =	sand.u32 @!p1 $0x70, s29  }
0xa2: {  	s30 =	simm.s32 @!p1 $0x400;
	s0 =	sand.u32 @!p1 $0xFFFC000, s0;
	s28 =	sadd.s32 @!p1 s1, s28  }
0xa3: {  	s31 =	simm.s32 @!p1 $0x18700;
	s0 =	sadd.s32 @!p1 s0, s28;
	s28 =	simm.s32 @!p1 $0x80  }
0xa4: {  	[tilespmem:s31], [sflag:$0x3] =	stream.strided.gather @!p1 [hbm4b:s0+s28], $0x4000, s30, s28, $0x38;
	[tilespmem:$0x1E800] =	vst v63  }
0xa5: {  	s28 =	sshrl.u32 s29, $0x3  }
0xa6: {  	s0 =	sshll.u32 s29, $0x7;
	s30 =	smul.u32 $0xC3800, s28  }
0xa7: {  	s31 =	simm.s32 @!p1 $0x3;
	s29 =	sand.u32 $0x380, s0  }
0xa8: {  	_ =	swait.ge @!p1 [sflag:s31], $0x4000;
	s0 =	sor.u32 s29, s30  }
0xa9: {  	[sflag:s31] =	ssyncset.done @!p1 $0x0;
	s0 =	sshrl.u32 s0, $0x3  }
0xaa: {  	[sflag:s31] =	ssyncadd.s32 @!p1 $0xFFFFC000;
	s0 =	sadd.s32 s2, s0  }
0xab: {  	[tilespmem:s5], [sflag:$0x3] =	stream.strided.gather [hbm4b:s0+s15], $0x18700, s16, s15, $0x38;
	[tilespmem:$0x1E800] =	vst v63  }
0xac: {  	_ =	swait.ge [sflag:s17], $0x18700  }
0xad: {  	[sflag:s17] =	ssyncset.done $0x0  }
0xae: {  	s0 =	simm.s32 $0x18780;
	[sflag:s17] =	ssyncadd.s32 $0xFFFE7900  }
0xaf: {  	v1 =	vld [tilespmem:s0+$0x70]  }
0xb0: {  	v2 =	vld [tilespmem:s0+$0xFFFFFF90]  }
0xb1: {  	v3 =	vld [tilespmem:s0+$0xFFFFFFA0]  }
0xb2: {  	v4 =	vld [tilespmem:s0+$0xFFFFFFB0]  }
0xb3: {  	v5 =	vld [tilespmem:s0+$0xFFFFFFC0]  }
0xb4: {  	v6 =	vld [tilespmem:s0+$0xFFFFFFD0]  }
0xb5: {  	v7 =	vld [tilespmem:s0+$0xFFFFFFE0]  }
0xb6: {  	v8 =	vld [tilespmem:s0+$0xFFFFFFF0]  }
0xb7: {  	v9 =	vld [tilespmem:s0+$0x0]  }
0xb8: {  	v10 =	vld [tilespmem:s0+$0x10]  }
0xb9: {  	v11 =	vld [tilespmem:s0+$0x20]  }
0xba: {  	v12 =	vld [tilespmem:s0+$0x30]  }
0xbb: {  	v13 =	vld [tilespmem:s0+$0x40]  }
0xbc: {  	v14 =	vld [tilespmem:s0+$0x50]  }
0xbd: {  	v15 =	vld [tilespmem:s0+$0x60]  }
0xbe: {  	v16 =	vld [tilespmem:s0+$0xFFFFFF80]  }
0xbf: {  	v1 =	vld.idx.msk [tilespmem:v1+s5+$0x0], $0xffff  }
0xc0: {  	v2 =	vld.idx.msk [tilespmem:v2+s5+$0x0], $0xffff  }
0xc1: {  	v3 =	vld.idx.msk [tilespmem:v3+s5+$0x0], $0xffff  }
0xc2: {  	v4 =	vld.idx.msk [tilespmem:v4+s5+$0x0], $0xffff  }
0xc3: {  	v5 =	vld.idx.msk [tilespmem:v5+s5+$0x0], $0xffff  }
0xc4: {  	s30 =	simm.s32 $0x1C780;
	v6 =	vld.idx.msk [tilespmem:v6+s5+$0x0], $0xffff  }
0xc5: {  	v7 =	vld.idx.msk [tilespmem:v7+s5+$0x0], $0xffff;
	[tilespmem:s30+$0x70] =	vst v1  }
0xc6: {  	v8 =	vld.idx.msk [tilespmem:v8+s5+$0x0], $0xffff;
	[tilespmem:s30+$0xFFFFFF90] =	vst v2  }
0xc7: {  	v16 =	vld.idx.msk [tilespmem:v16+s5+$0x0], $0xffff;
	[tilespmem:s30+$0xFFFFFFA0] =	vst v3  }
0xc8: {  	v9 =	vld.idx.msk [tilespmem:v9+s5+$0x0], $0xffff;
	[tilespmem:s30+$0xFFFFFFB0] =	vst v4  }
0xc9: {  	[tilespmem:s30+$0xFFFFFFC0] =	vst v5;
	v1 =	vld.idx.msk [tilespmem:v10+s5+$0x0], $0xffff  }
0xca: {  	[tilespmem:s30+$0xFFFFFFD0] =	vst v6;
	v2 =	vld.idx.msk [tilespmem:v11+s5+$0x0], $0xffff  }
0xcb: {  	[tilespmem:s30+$0xFFFFFFE0] =	vst v7;
	v3 =	vld.idx.msk [tilespmem:v12+s5+$0x0], $0xffff  }
0xcc: {  	[tilespmem:s30+$0xFFFFFFF0] =	vst v8;
	v4 =	vld.idx.msk [tilespmem:v13+s5+$0x0], $0xffff  }
0xcd: {  	[tilespmem:s30+$0xFFFFFF80] =	vst v16;
	v5 =	vld.idx.msk [tilespmem:v14+s5+$0x0], $0xffff  }
0xce: {  	s31 =	simm.s32 $0x0;
	s0 =	simm.s32 $0x18880;
	[tilespmem:s30+$0x0] =	vst v9;
	v6 =	vld.idx.msk [tilespmem:v15+s5+$0x0], $0xffff  }
.LBB2_10:
0xcf: {  	v7 =	vld [tilespmem:s0+$0x70];
	s31 =	sadd.s32 $0x100, s31;
	[tilespmem:s30+$0x10] =	vst v1  }
0xd0: {  	v1 =	vld [tilespmem:s0+$0xFFFFFF90];
	p1 =	slt.u32 s31, $0xF00;
	[tilespmem:s30+$0x20] =	vst v2  }
0xd1: {  	v2 =	vld [tilespmem:s0+$0xFFFFFFA0];
	[tilespmem:s30+$0x30] =	vst v3  }
0xd2: {  	v3 =	vld [tilespmem:s0+$0xFFFFFFB0];
	[tilespmem:s30+$0x40] =	vst v4  }
0xd3: {  	v4 =	vld [tilespmem:s0+$0xFFFFFFC0];
	[tilespmem:s30+$0x50] =	vst v5  }
0xd4: {  	v5 =	vld [tilespmem:s0+$0xFFFFFFD0];
	[tilespmem:s30+$0x60] =	vst v6  }
0xd5: {  	v6 =	vld [tilespmem:s0+$0xFFFFFFE0]  }
0xd6: {  	v8 =	vld [tilespmem:s0+$0xFFFFFFF0]  }
0xd7: {  	v7 =	vld.idx.msk [tilespmem:v7+s5+$0x0], $0xffff  }
0xd8: {  	v9 =	vld [tilespmem:s0+$0x0]  }
0xd9: {  	v10 =	vld [tilespmem:s0+$0x10]  }
0xda: {  	v11 =	vld [tilespmem:s0+$0x20]  }
0xdb: {  	v12 =	vld [tilespmem:s0+$0x30]  }
0xdc: {  	s30 =	sadd.s32 $0x100, s30;
	v13 =	vld [tilespmem:s0+$0x40]  }
0xdd: {  	v14 =	vld [tilespmem:s0+$0x50];
	[tilespmem:s30+$0x70] =	vst v7  }
0xde: {  	v7 =	vld [tilespmem:s0+$0x60]  }
0xdf: {  	v15 =	vld [tilespmem:s0+$0xFFFFFF80]  }
0xe0: {  	v1 =	vld.idx.msk [tilespmem:v1+s5+$0x0], $0xffff  }
0xe1: {  	v2 =	vld.idx.msk [tilespmem:v2+s5+$0x0], $0xffff  }
0xe2: {  	v3 =	vld.idx.msk [tilespmem:v3+s5+$0x0], $0xffff  }
0xe3: {  	v4 =	vld.idx.msk [tilespmem:v4+s5+$0x0], $0xffff  }
0xe4: {  	v5 =	vld.idx.msk [tilespmem:v5+s5+$0x0], $0xffff  }
0xe5: {  	v6 =	vld.idx.msk [tilespmem:v6+s5+$0x0], $0xffff  }
0xe6: {  	[tilespmem:s30+$0xFFFFFF90] =	vst v1;
	v8 =	vld.idx.msk [tilespmem:v8+s5+$0x0], $0xffff  }
0xe7: {  	v15 =	vld.idx.msk [tilespmem:v15+s5+$0x0], $0xffff;
	[tilespmem:s30+$0xFFFFFFA0] =	vst v2  }
0xe8: {  	[tilespmem:s30+$0xFFFFFFB0] =	vst v3;
	v9 =	vld.idx.msk [tilespmem:v9+s5+$0x0], $0xffff  }
0xe9: {  	[tilespmem:s30+$0xFFFFFFC0] =	vst v4;
	v1 =	vld.idx.msk [tilespmem:v10+s5+$0x0], $0xffff  }
.Ltmp4:
0xea: {  	[tilespmem:s30+$0xFFFFFFD0] =	vst v5;
	v2 =	vld.idx.msk [tilespmem:v11+s5+$0x0], $0xffff;
	(pc) =	sbr.rel @p1 .LBB2_10-.Ltmp4, $4  }
0xeb: {  	[tilespmem:s30+$0xFFFFFFE0] =	vst v6;
	v3 =	vld.idx.msk [tilespmem:v12+s5+$0x0], $0xffff  }
0xec: {  	[tilespmem:s30+$0xFFFFFFF0] =	vst v8;
	v4 =	vld.idx.msk [tilespmem:v13+s5+$0x0], $0xffff  }
0xed: {  	[tilespmem:s30+$0xFFFFFF80] =	vst v15;
	v5 =	vld.idx.msk [tilespmem:v14+s5+$0x0], $0xffff  }
0xee: {  	s0 =	sadd.s32 $0x100, s0;
	[tilespmem:s30+$0x0] =	vst v9;
	v6 =	vld.idx.msk [tilespmem:v7+s5+$0x0], $0xffff  }
0xef: {  	[tilespmem:s30+$0x10] =	vst v1  }
0xf0: {  	[tilespmem:s30+$0x20] =	vst v2  }
0xf1: {  	s0 =	sshll.u32 s28, $0x11;
	[tilespmem:s30+$0x30] =	vst v3  }
0xf2: {  	s0 =	sor.u32 s29, s0;
	[tilespmem:s30+$0x40] =	vst v4  }
0xf3: {  	s28 =	sshrl.u32 s0, $0x3;
	[tilespmem:s30+$0x50] =	vst v5  }
0xf4: {  	s31 =	simm.s32 $0x197F0;
	s0 =	sadd.s32 s3, s28;
	[tilespmem:s30+$0x60] =	vst v6  }
0xf5: {  	[hbm4b:s0+s15] =	stream.strided.scatter [tilespmem:s20], [sflag:$0x1], $0x1000, s16, s15, $0x38;
	[tilespmem:$0x1E800] =	vst v63  }
0xf6: {  	v1 =	vld [tilespmem:s31+$0x0]  }
0xf7: {  	v2 =	vld [tilespmem:s31+$0xFFFFFF20]  }
0xf8: {  	v3 =	vld [tilespmem:s31+$0xFFFFFF30]  }
0xf9: {  	v4 =	vld [tilespmem:s31+$0xFFFFFF40]  }
0xfa: {  	v5 =	vld [tilespmem:s31+$0xFFFFFF50]  }
0xfb: {  	v6 =	vld [tilespmem:s31+$0xFFFFFF60]  }
0xfc: {  	v7 =	vld [tilespmem:s31+$0xFFFFFF70]  }
0xfd: {  	v8 =	vld [tilespmem:s31+$0xFFFFFF80]  }
0xfe: {  	v9 =	vld [tilespmem:s31+$0xFFFFFF90]  }
0xff: {  	v10 =	vld [tilespmem:s31+$0xFFFFFFA0]  }
0x100: {  	v11 =	vld [tilespmem:s31+$0xFFFFFFB0]  }
0x101: {  	v12 =	vld [tilespmem:s31+$0xFFFFFFC0]  }
0x102: {  	v13 =	vld [tilespmem:s31+$0xFFFFFFD0]  }
0x103: {  	v14 =	vld [tilespmem:s31+$0xFFFFFFE0]  }
0x104: {  	v15 =	vld [tilespmem:s31+$0xFFFFFFF0]  }
0x105: {  	v16 =	vld [tilespmem:s31+$0xFFFFFF10]  }
0x106: {  	v1 =	vld.idx.msk [tilespmem:v1+s5+$0x0], $0xffff  }
0x107: {  	v2 =	vld.idx.msk [tilespmem:v2+s5+$0x0], $0xffff  }
0x108: {  	v3 =	vld.idx.msk [tilespmem:v3+s5+$0x0], $0xffff  }
0x109: {  	v4 =	vld.idx.msk [tilespmem:v4+s5+$0x0], $0xffff  }
0x10a: {  	v5 =	vld.idx.msk [tilespmem:v5+s5+$0x0], $0xffff  }
0x10b: {  	s29 =	simm.s32 $0x1D780;
	v6 =	vld.idx.msk [tilespmem:v6+s5+$0x0], $0xffff  }
0x10c: {  	v7 =	vld.idx.msk [tilespmem:v7+s5+$0x0], $0xffff;
	[tilespmem:s29+$0x70] =	vst v1  }
0x10d: {  	v8 =	vld.idx.msk [tilespmem:v8+s5+$0x0], $0xffff;
	[tilespmem:s29+$0xFFFFFF90] =	vst v2  }
0x10e: {  	v16 =	vld.idx.msk [tilespmem:v16+s5+$0x0], $0xffff;
	[tilespmem:s29+$0xFFFFFFA0] =	vst v3  }
0x10f: {  	v9 =	vld.idx.msk [tilespmem:v9+s5+$0x0], $0xffff;
	[tilespmem:s29+$0xFFFFFFB0] =	vst v4  }
0x110: {  	[tilespmem:s29+$0xFFFFFFC0] =	vst v5;
	v1 =	vld.idx.msk [tilespmem:v10+s5+$0x0], $0xffff  }
0x111: {  	[tilespmem:s29+$0xFFFFFFD0] =	vst v6;
	v2 =	vld.idx.msk [tilespmem:v11+s5+$0x0], $0xffff  }
0x112: {  	[tilespmem:s29+$0xFFFFFFE0] =	vst v7;
	v3 =	vld.idx.msk [tilespmem:v12+s5+$0x0], $0xffff  }
0x113: {  	[tilespmem:s29+$0xFFFFFFF0] =	vst v8;
	v4 =	vld.idx.msk [tilespmem:v13+s5+$0x0], $0xffff  }
0x114: {  	[tilespmem:s29+$0xFFFFFF80] =	vst v16;
	v5 =	vld.idx.msk [tilespmem:v14+s5+$0x0], $0xffff  }
0x115: {  	s30 =	simm.s32 $0x0;
	s0 =	simm.s32 $0x198F0;
	[tilespmem:s29+$0x0] =	vst v9;
	v6 =	vld.idx.msk [tilespmem:v15+s5+$0x0], $0xffff  }
.LBB2_12:
0x116: {  	v7 =	vld [tilespmem:s0+$0x0];
	s30 =	sadd.s32 $0x100, s30;
	[tilespmem:s29+$0x10] =	vst v1  }
0x117: {  	v1 =	vld [tilespmem:s0+$0xFFFFFF20];
	p1 =	slt.u32 s30, $0xF00;
	[tilespmem:s29+$0x20] =	vst v2  }
0x118: {  	v2 =	vld [tilespmem:s0+$0xFFFFFF30];
	[tilespmem:s29+$0x30] =	vst v3  }
0x119: {  	v3 =	vld [tilespmem:s0+$0xFFFFFF40];
	[tilespmem:s29+$0x40] =	vst v4  }
0x11a: {  	v4 =	vld [tilespmem:s0+$0xFFFFFF50];
	[tilespmem:s29+$0x50] =	vst v5  }
0x11b: {  	v5 =	vld [tilespmem:s0+$0xFFFFFF60];
	[tilespmem:s29+$0x60] =	vst v6  }
0x11c: {  	v6 =	vld [tilespmem:s0+$0xFFFFFF70]  }
0x11d: {  	v8 =	vld [tilespmem:s0+$0xFFFFFF80]  }
0x11e: {  	v7 =	vld.idx.msk [tilespmem:v7+s5+$0x0], $0xffff  }
0x11f: {  	v9 =	vld [tilespmem:s0+$0xFFFFFF90]  }
0x120: {  	v10 =	vld [tilespmem:s0+$0xFFFFFFA0]  }
0x121: {  	v11 =	vld [tilespmem:s0+$0xFFFFFFB0]  }
0x122: {  	v12 =	vld [tilespmem:s0+$0xFFFFFFC0]  }
0x123: {  	s29 =	sadd.s32 $0x100, s29;
	v13 =	vld [tilespmem:s0+$0xFFFFFFD0]  }
0x124: {  	v14 =	vld [tilespmem:s0+$0xFFFFFFE0];
	[tilespmem:s29+$0x70] =	vst v7  }
0x125: {  	v7 =	vld [tilespmem:s0+$0xFFFFFFF0]  }
0x126: {  	v15 =	vld [tilespmem:s0+$0xFFFFFF10]  }
0x127: {  	v1 =	vld.idx.msk [tilespmem:v1+s5+$0x0], $0xffff  }
0x128: {  	v2 =	vld.idx.msk [tilespmem:v2+s5+$0x0], $0xffff  }
0x129: {  	v3 =	vld.idx.msk [tilespmem:v3+s5+$0x0], $0xffff  }
0x12a: {  	v4 =	vld.idx.msk [tilespmem:v4+s5+$0x0], $0xffff  }
0x12b: {  	v5 =	vld.idx.msk [tilespmem:v5+s5+$0x0], $0xffff  }
0x12c: {  	v6 =	vld.idx.msk [tilespmem:v6+s5+$0x0], $0xffff  }
0x12d: {  	[tilespmem:s29+$0xFFFFFF90] =	vst v1;
	v8 =	vld.idx.msk [tilespmem:v8+s5+$0x0], $0xffff  }
0x12e: {  	v15 =	vld.idx.msk [tilespmem:v15+s5+$0x0], $0xffff;
	[tilespmem:s29+$0xFFFFFFA0] =	vst v2  }
0x12f: {  	[tilespmem:s29+$0xFFFFFFB0] =	vst v3;
	v9 =	vld.idx.msk [tilespmem:v9+s5+$0x0], $0xffff  }
0x130: {  	[tilespmem:s29+$0xFFFFFFC0] =	vst v4;
	v1 =	vld.idx.msk [tilespmem:v10+s5+$0x0], $0xffff  }
.Ltmp5:
0x131: {  	[tilespmem:s29+$0xFFFFFFD0] =	vst v5;
	v2 =	vld.idx.msk [tilespmem:v11+s5+$0x0], $0xffff;
	(pc) =	sbr.rel @p1 .LBB2_12-.Ltmp5, $4  }
0x132: {  	[tilespmem:s29+$0xFFFFFFE0] =	vst v6;
	v3 =	vld.idx.msk [tilespmem:v12+s5+$0x0], $0xffff  }
0x133: {  	[tilespmem:s29+$0xFFFFFFF0] =	vst v8;
	v4 =	vld.idx.msk [tilespmem:v13+s5+$0x0], $0xffff  }
0x134: {  	[tilespmem:s29+$0xFFFFFF80] =	vst v15;
	v5 =	vld.idx.msk [tilespmem:v14+s5+$0x0], $0xffff  }
0x135: {  	s0 =	sadd.s32 $0x100, s0;
	[tilespmem:s29+$0x0] =	vst v9;
	v6 =	vld.idx.msk [tilespmem:v7+s5+$0x0], $0xffff  }
0x136: {  	[tilespmem:s29+$0x10] =	vst v1  }
0x137: {  	[tilespmem:s29+$0x20] =	vst v2  }
0x138: {  	[tilespmem:s29+$0x30] =	vst v3  }
0x139: {  	[tilespmem:s29+$0x40] =	vst v4  }
0x13a: {  	[tilespmem:s29+$0x50] =	vst v5  }
0x13b: {  	s0 =	sadd.s32 s28, s11;
	[tilespmem:s29+$0x60] =	vst v6  }
0x13c: {  	[hbm4b:s0+s15] =	stream.strided.scatter [tilespmem:s21], [sflag:$0x2], $0x1000, s16, s15, $0x38;
	[tilespmem:$0x1E800] =	vst v63  }
0x13d: {  	_ =	swait.ge [sflag:s22], $0x1000  }
0x13e: {  	[sflag:s22] =	ssyncset.done $0x0  }
0x13f: {  	s31 =	simm.s32 $0x1A7F0;
	[sflag:s22] =	ssyncadd.s32 $0xFFFFF000  }
0x140: {  	v1 =	vld [tilespmem:s31+$0x0]  }
0x141: {  	v2 =	vld [tilespmem:s31+$0xFFFFFF20]  }
0x142: {  	v3 =	vld [tilespmem:s31+$0xFFFFFF30]  }
0x143: {  	v4 =	vld [tilespmem:s31+$0xFFFFFF40]  }
0x144: {  	v5 =	vld [tilespmem:s31+$0xFFFFFF50]  }
0x145: {  	v6 =	vld [tilespmem:s31+$0xFFFFFF60]  }
0x146: {  	v7 =	vld [tilespmem:s31+$0xFFFFFF70]  }
0x147: {  	v8 =	vld [tilespmem:s31+$0xFFFFFF80]  }
0x148: {  	v9 =	vld [tilespmem:s31+$0xFFFFFF90]  }
0x149: {  	v10 =	vld [tilespmem:s31+$0xFFFFFFA0]  }
0x14a: {  	v11 =	vld [tilespmem:s31+$0xFFFFFFB0]  }
0x14b: {  	v12 =	vld [tilespmem:s31+$0xFFFFFFC0]  }
0x14c: {  	v13 =	vld [tilespmem:s31+$0xFFFFFFD0]  }
0x14d: {  	v14 =	vld [tilespmem:s31+$0xFFFFFFE0]  }
0x14e: {  	v15 =	vld [tilespmem:s31+$0xFFFFFFF0]  }
0x14f: {  	v16 =	vld [tilespmem:s31+$0xFFFFFF10]  }
0x150: {  	v1 =	vld.idx.msk [tilespmem:v1+s5+$0x0], $0xffff  }
0x151: {  	v2 =	vld.idx.msk [tilespmem:v2+s5+$0x0], $0xffff  }
0x152: {  	v3 =	vld.idx.msk [tilespmem:v3+s5+$0x0], $0xffff  }
0x153: {  	v4 =	vld.idx.msk [tilespmem:v4+s5+$0x0], $0xffff  }
0x154: {  	v5 =	vld.idx.msk [tilespmem:v5+s5+$0x0], $0xffff  }
0x155: {  	s29 =	simm.s32 $0x1C780;
	v6 =	vld.idx.msk [tilespmem:v6+s5+$0x0], $0xffff  }
0x156: {  	v7 =	vld.idx.msk [tilespmem:v7+s5+$0x0], $0xffff;
	[tilespmem:s29+$0x70] =	vst v1  }
0x157: {  	v8 =	vld.idx.msk [tilespmem:v8+s5+$0x0], $0xffff;
	[tilespmem:s29+$0xFFFFFF90] =	vst v2  }
0x158: {  	v16 =	vld.idx.msk [tilespmem:v16+s5+$0x0], $0xffff;
	[tilespmem:s29+$0xFFFFFFA0] =	vst v3  }
0x159: {  	v9 =	vld.idx.msk [tilespmem:v9+s5+$0x0], $0xffff;
	[tilespmem:s29+$0xFFFFFFB0] =	vst v4  }
0x15a: {  	[tilespmem:s29+$0xFFFFFFC0] =	vst v5;
	v1 =	vld.idx.msk [tilespmem:v10+s5+$0x0], $0xffff  }
0x15b: {  	[tilespmem:s29+$0xFFFFFFD0] =	vst v6;
	v2 =	vld.idx.msk [tilespmem:v11+s5+$0x0], $0xffff  }
0x15c: {  	[tilespmem:s29+$0xFFFFFFE0] =	vst v7;
	v3 =	vld.idx.msk [tilespmem:v12+s5+$0x0], $0xffff  }
0x15d: {  	[tilespmem:s29+$0xFFFFFFF0] =	vst v8;
	v4 =	vld.idx.msk [tilespmem:v13+s5+$0x0], $0xffff  }
0x15e: {  	[tilespmem:s29+$0xFFFFFF80] =	vst v16;
	v5 =	vld.idx.msk [tilespmem:v14+s5+$0x0], $0xffff  }
0x15f: {  	s30 =	simm.s32 $0x0;
	s0 =	simm.s32 $0x1A8F0;
	[tilespmem:s29+$0x0] =	vst v9;
	v6 =	vld.idx.msk [tilespmem:v15+s5+$0x0], $0xffff  }
.LBB2_14:
0x160: {  	v7 =	vld [tilespmem:s0+$0x0];
	s30 =	sadd.s32 $0x100, s30;
	[tilespmem:s29+$0x10] =	vst v1  }
0x161: {  	v1 =	vld [tilespmem:s0+$0xFFFFFF20];
	p1 =	slt.u32 s30, $0xF00;
	[tilespmem:s29+$0x20] =	vst v2  }
0x162: {  	v2 =	vld [tilespmem:s0+$0xFFFFFF30];
	[tilespmem:s29+$0x30] =	vst v3  }
0x163: {  	v3 =	vld [tilespmem:s0+$0xFFFFFF40];
	[tilespmem:s29+$0x40] =	vst v4  }
0x164: {  	v4 =	vld [tilespmem:s0+$0xFFFFFF50];
	[tilespmem:s29+$0x50] =	vst v5  }
0x165: {  	v5 =	vld [tilespmem:s0+$0xFFFFFF60];
	[tilespmem:s29+$0x60] =	vst v6  }
0x166: {  	v6 =	vld [tilespmem:s0+$0xFFFFFF70]  }
0x167: {  	v8 =	vld [tilespmem:s0+$0xFFFFFF80]  }
0x168: {  	v7 =	vld.idx.msk [tilespmem:v7+s5+$0x0], $0xffff  }
0x169: {  	v9 =	vld [tilespmem:s0+$0xFFFFFF90]  }
0x16a: {  	v10 =	vld [tilespmem:s0+$0xFFFFFFA0]  }
0x16b: {  	v11 =	vld [tilespmem:s0+$0xFFFFFFB0]  }
0x16c: {  	v12 =	vld [tilespmem:s0+$0xFFFFFFC0]  }
0x16d: {  	s29 =	sadd.s32 $0x100, s29;
	v13 =	vld [tilespmem:s0+$0xFFFFFFD0]  }
0x16e: {  	v14 =	vld [tilespmem:s0+$0xFFFFFFE0];
	[tilespmem:s29+$0x70] =	vst v7  }
0x16f: {  	v7 =	vld [tilespmem:s0+$0xFFFFFFF0]  }
0x170: {  	v15 =	vld [tilespmem:s0+$0xFFFFFF10]  }
0x171: {  	v1 =	vld.idx.msk [tilespmem:v1+s5+$0x0], $0xffff  }
0x172: {  	v2 =	vld.idx.msk [tilespmem:v2+s5+$0x0], $0xffff  }
0x173: {  	v3 =	vld.idx.msk [tilespmem:v3+s5+$0x0], $0xffff  }
0x174: {  	v4 =	vld.idx.msk [tilespmem:v4+s5+$0x0], $0xffff  }
0x175: {  	v5 =	vld.idx.msk [tilespmem:v5+s5+$0x0], $0xffff  }
0x176: {  	v6 =	vld.idx.msk [tilespmem:v6+s5+$0x0], $0xffff  }
0x177: {  	[tilespmem:s29+$0xFFFFFF90] =	vst v1;
	v8 =	vld.idx.msk [tilespmem:v8+s5+$0x0], $0xffff  }
0x178: {  	v15 =	vld.idx.msk [tilespmem:v15+s5+$0x0], $0xffff;
	[tilespmem:s29+$0xFFFFFFA0] =	vst v2  }
0x179: {  	[tilespmem:s29+$0xFFFFFFB0] =	vst v3;
	v9 =	vld.idx.msk [tilespmem:v9+s5+$0x0], $0xffff  }
0x17a: {  	[tilespmem:s29+$0xFFFFFFC0] =	vst v4;
	v1 =	vld.idx.msk [tilespmem:v10+s5+$0x0], $0xffff  }
.Ltmp6:
0x17b: {  	[tilespmem:s29+$0xFFFFFFD0] =	vst v5;
	v2 =	vld.idx.msk [tilespmem:v11+s5+$0x0], $0xffff;
	(pc) =	sbr.rel @p1 .LBB2_14-.Ltmp6, $4  }
0x17c: {  	[tilespmem:s29+$0xFFFFFFE0] =	vst v6;
	v3 =	vld.idx.msk [tilespmem:v12+s5+$0x0], $0xffff  }
0x17d: {  	[tilespmem:s29+$0xFFFFFFF0] =	vst v8;
	v4 =	vld.idx.msk [tilespmem:v13+s5+$0x0], $0xffff  }
0x17e: {  	[tilespmem:s29+$0xFFFFFF80] =	vst v15;
	v5 =	vld.idx.msk [tilespmem:v14+s5+$0x0], $0xffff  }
0x17f: {  	s0 =	sadd.s32 $0x100, s0;
	[tilespmem:s29+$0x0] =	vst v9;
	v6 =	vld.idx.msk [tilespmem:v7+s5+$0x0], $0xffff  }
0x180: {  	[tilespmem:s29+$0x10] =	vst v1  }
0x181: {  	[tilespmem:s29+$0x20] =	vst v2  }
0x182: {  	[tilespmem:s29+$0x30] =	vst v3  }
0x183: {  	[tilespmem:s29+$0x40] =	vst v4  }
0x184: {  	[tilespmem:s29+$0x50] =	vst v5  }
0x185: {  	s0 =	sadd.s32 s28, s12;
	[tilespmem:s29+$0x60] =	vst v6  }
0x186: {  	[hbm4b:s0+s15] =	stream.strided.scatter [tilespmem:s20], [sflag:$0x1], $0x1000, s16, s15, $0x38;
	[tilespmem:$0x1E800] =	vst v63  }
0x187: {  	_ =	swait.ge [sflag:s23], $0x1000  }
0x188: {  	[sflag:s23] =	ssyncset.done $0x0  }
0x189: {  	s31 =	simm.s32 $0x1B7F0;
	[sflag:s23] =	ssyncadd.s32 $0xFFFFF000  }
0x18a: {  	v1 =	vld [tilespmem:s31+$0x0]  }
0x18b: {  	v2 =	vld [tilespmem:s31+$0xFFFFFF20]  }
0x18c: {  	v3 =	vld [tilespmem:s31+$0xFFFFFF30]  }
0x18d: {  	v4 =	vld [tilespmem:s31+$0xFFFFFF40]  }
0x18e: {  	v5 =	vld [tilespmem:s31+$0xFFFFFF50]  }
0x18f: {  	v6 =	vld [tilespmem:s31+$0xFFFFFF60]  }
0x190: {  	v7 =	vld [tilespmem:s31+$0xFFFFFF70]  }
0x191: {  	v8 =	vld [tilespmem:s31+$0xFFFFFF80]  }
0x192: {  	v9 =	vld [tilespmem:s31+$0xFFFFFF90]  }
0x193: {  	v10 =	vld [tilespmem:s31+$0xFFFFFFA0]  }
0x194: {  	v11 =	vld [tilespmem:s31+$0xFFFFFFB0]  }
0x195: {  	v12 =	vld [tilespmem:s31+$0xFFFFFFC0]  }
0x196: {  	v13 =	vld [tilespmem:s31+$0xFFFFFFD0]  }
0x197: {  	v14 =	vld [tilespmem:s31+$0xFFFFFFE0]  }
0x198: {  	v15 =	vld [tilespmem:s31+$0xFFFFFFF0]  }
0x199: {  	v16 =	vld [tilespmem:s31+$0xFFFFFF10]  }
0x19a: {  	v1 =	vld.idx.msk [tilespmem:v1+s5+$0x0], $0xffff  }
0x19b: {  	v2 =	vld.idx.msk [tilespmem:v2+s5+$0x0], $0xffff  }
0x19c: {  	v3 =	vld.idx.msk [tilespmem:v3+s5+$0x0], $0xffff  }
0x19d: {  	v4 =	vld.idx.msk [tilespmem:v4+s5+$0x0], $0xffff  }
0x19e: {  	v5 =	vld.idx.msk [tilespmem:v5+s5+$0x0], $0xffff  }
0x19f: {  	s29 =	simm.s32 $0x1D780;
	v6 =	vld.idx.msk [tilespmem:v6+s5+$0x0], $0xffff  }
0x1a0: {  	v7 =	vld.idx.msk [tilespmem:v7+s5+$0x0], $0xffff;
	[tilespmem:s29+$0x70] =	vst v1  }
0x1a1: {  	v8 =	vld.idx.msk [tilespmem:v8+s5+$0x0], $0xffff;
	[tilespmem:s29+$0xFFFFFF90] =	vst v2  }
0x1a2: {  	v16 =	vld.idx.msk [tilespmem:v16+s5+$0x0], $0xffff;
	[tilespmem:s29+$0xFFFFFFA0] =	vst v3  }
0x1a3: {  	v9 =	vld.idx.msk [tilespmem:v9+s5+$0x0], $0xffff;
	[tilespmem:s29+$0xFFFFFFB0] =	vst v4  }
0x1a4: {  	[tilespmem:s29+$0xFFFFFFC0] =	vst v5;
	v1 =	vld.idx.msk [tilespmem:v10+s5+$0x0], $0xffff  }
0x1a5: {  	[tilespmem:s29+$0xFFFFFFD0] =	vst v6;
	v2 =	vld.idx.msk [tilespmem:v11+s5+$0x0], $0xffff  }
0x1a6: {  	[tilespmem:s29+$0xFFFFFFE0] =	vst v7;
	v3 =	vld.idx.msk [tilespmem:v12+s5+$0x0], $0xffff  }
0x1a7: {  	[tilespmem:s29+$0xFFFFFFF0] =	vst v8;
	v4 =	vld.idx.msk [tilespmem:v13+s5+$0x0], $0xffff  }
0x1a8: {  	[tilespmem:s29+$0xFFFFFF80] =	vst v16;
	v5 =	vld.idx.msk [tilespmem:v14+s5+$0x0], $0xffff  }
0x1a9: {  	s30 =	simm.s32 $0x0;
	s0 =	simm.s32 $0x1B8F0;
	[tilespmem:s29+$0x0] =	vst v9;
	v6 =	vld.idx.msk [tilespmem:v15+s5+$0x0], $0xffff  }
.LBB2_16:
0x1aa: {  	v7 =	vld [tilespmem:s0+$0x0];
	s30 =	sadd.s32 $0x100, s30;
	[tilespmem:s29+$0x10] =	vst v1  }
0x1ab: {  	v1 =	vld [tilespmem:s0+$0xFFFFFF20];
	p1 =	slt.u32 s30, $0xF00;
	[tilespmem:s29+$0x20] =	vst v2  }
0x1ac: {  	v2 =	vld [tilespmem:s0+$0xFFFFFF30];
	[tilespmem:s29+$0x30] =	vst v3  }
0x1ad: {  	v3 =	vld [tilespmem:s0+$0xFFFFFF40];
	[tilespmem:s29+$0x40] =	vst v4  }
0x1ae: {  	v4 =	vld [tilespmem:s0+$0xFFFFFF50];
	[tilespmem:s29+$0x50] =	vst v5  }
0x1af: {  	v5 =	vld [tilespmem:s0+$0xFFFFFF60];
	[tilespmem:s29+$0x60] =	vst v6  }
0x1b0: {  	v6 =	vld [tilespmem:s0+$0xFFFFFF70]  }
0x1b1: {  	v8 =	vld [tilespmem:s0+$0xFFFFFF80]  }
0x1b2: {  	v7 =	vld.idx.msk [tilespmem:v7+s5+$0x0], $0xffff  }
0x1b3: {  	v9 =	vld [tilespmem:s0+$0xFFFFFF90]  }
0x1b4: {  	v10 =	vld [tilespmem:s0+$0xFFFFFFA0]  }
0x1b5: {  	v11 =	vld [tilespmem:s0+$0xFFFFFFB0]  }
0x1b6: {  	v12 =	vld [tilespmem:s0+$0xFFFFFFC0]  }
0x1b7: {  	s29 =	sadd.s32 $0x100, s29;
	v13 =	vld [tilespmem:s0+$0xFFFFFFD0]  }
0x1b8: {  	v14 =	vld [tilespmem:s0+$0xFFFFFFE0];
	[tilespmem:s29+$0x70] =	vst v7  }
0x1b9: {  	v7 =	vld [tilespmem:s0+$0xFFFFFFF0]  }
0x1ba: {  	v15 =	vld [tilespmem:s0+$0xFFFFFF10]  }
0x1bb: {  	v1 =	vld.idx.msk [tilespmem:v1+s5+$0x0], $0xffff  }
0x1bc: {  	v2 =	vld.idx.msk [tilespmem:v2+s5+$0x0], $0xffff  }
0x1bd: {  	v3 =	vld.idx.msk [tilespmem:v3+s5+$0x0], $0xffff  }
0x1be: {  	v4 =	vld.idx.msk [tilespmem:v4+s5+$0x0], $0xffff  }
0x1bf: {  	v5 =	vld.idx.msk [tilespmem:v5+s5+$0x0], $0xffff  }
0x1c0: {  	v6 =	vld.idx.msk [tilespmem:v6+s5+$0x0], $0xffff  }
0x1c1: {  	[tilespmem:s29+$0xFFFFFF90] =	vst v1;
	v8 =	vld.idx.msk [tilespmem:v8+s5+$0x0], $0xffff  }
0x1c2: {  	v15 =	vld.idx.msk [tilespmem:v15+s5+$0x0], $0xffff;
	[tilespmem:s29+$0xFFFFFFA0] =	vst v2  }
0x1c3: {  	[tilespmem:s29+$0xFFFFFFB0] =	vst v3;
	v9 =	vld.idx.msk [tilespmem:v9+s5+$0x0], $0xffff  }
0x1c4: {  	[tilespmem:s29+$0xFFFFFFC0] =	vst v4;
	v1 =	vld.idx.msk [tilespmem:v10+s5+$0x0], $0xffff  }
.Ltmp7:
0x1c5: {  	[tilespmem:s29+$0xFFFFFFD0] =	vst v5;
	v2 =	vld.idx.msk [tilespmem:v11+s5+$0x0], $0xffff;
	(pc) =	sbr.rel @p1 .LBB2_16-.Ltmp7, $4  }
0x1c6: {  	[tilespmem:s29+$0xFFFFFFE0] =	vst v6;
	v3 =	vld.idx.msk [tilespmem:v12+s5+$0x0], $0xffff  }
0x1c7: {  	[tilespmem:s29+$0xFFFFFFF0] =	vst v8;
	v4 =	vld.idx.msk [tilespmem:v13+s5+$0x0], $0xffff  }
0x1c8: {  	[tilespmem:s29+$0xFFFFFF80] =	vst v15;
	v5 =	vld.idx.msk [tilespmem:v14+s5+$0x0], $0xffff  }
0x1c9: {  	s0 =	sadd.s32 $0x100, s0;
	[tilespmem:s29+$0x0] =	vst v9;
	v6 =	vld.idx.msk [tilespmem:v7+s5+$0x0], $0xffff  }
0x1ca: {  	[tilespmem:s29+$0x10] =	vst v1  }
0x1cb: {  	[tilespmem:s29+$0x20] =	vst v2  }
0x1cc: {  	[tilespmem:s29+$0x30] =	vst v3  }
0x1cd: {  	[tilespmem:s29+$0x40] =	vst v4  }
0x1ce: {  	[tilespmem:s29+$0x50] =	vst v5  }
0x1cf: {  	s0 =	sadd.s32 s28, s13;
	s25 =	sadd.s32 $0x1, s25;
	[tilespmem:s29+$0x60] =	vst v6  }
0x1d0: {  	[hbm4b:s0+s15] =	stream.strided.scatter [tilespmem:s21], [sflag:$0x2], $0x1000, s16, s15, $0x38;
	[tilespmem:$0x1E800] =	vst v63  }
0x1d1: {  	p1 =	sne.s32 s25, $0xD;
	_ =	swait.ge [sflag:s22], $0x1000  }
.Ltmp8:
0x1d2: {  	[sflag:s22] =	ssyncset.done $0x0;
	(pc) =	sbr.rel @p1 .LBB2_9-.Ltmp8, $4  }
0x1d3: {  	[sflag:s22] =	ssyncadd.s32 $0xFFFFF000  }
0x1d4: {  	_ =	swait.ge [sflag:s23], $0x1000  }
0x1d5: {  	[sflag:s23] =	ssyncset.done $0x0  }
0x1d6: {  	[sflag:s23] =	ssyncadd.s32 $0xFFFFF000  }
0x1d7: {  	s24 =	sadd.s32 $0x1, s24  }
0x1d8: {  	p1 =	sne.s32 s24, s14  }
.Ltmp9:
0x1d9: {  	_ = 	snop;
	(pc) =	sbr.rel @p1 .LBB2_1-.Ltmp9, $1  }
0x1da: {  	_ =	sdelay $0x3  }
0x1db: {  	_ =	sfence.sel $0x180000  }
0x1dc: {  	[bflag:$0x0] =	sbarrier.arrive $0xFFFF  }
0x1dd: {  	_ =	strace $0x90000047  }
0x1de: {  	[bflag:$0x2] =	sbarrier.arrive $0xFFFF  }
0x1df: {  	p0 =	sne.s32 s4, $0x0;
	s0 =	rddreg [dreg:$0x5]  }
0x1e0: {  	s0 =	sadd.s32 @!p0 $0x100000, s0  }
0x1e1: {  	[sflag:s0] =	ssyncadd.tile.s32 @!p0 $0x1;
	_ =	shalt  }
.Lfunc_end2:
_tile_overlayer_lowered:
.L_overlay_start_2:
0x1e2: {  	(tag) =	ssettag $0x2  }
0x1e3: {  	s0 =	rddreg [dreg:$0x0];
	s2 =	stileid.u32  }
0x1e4: {  	s1 =	rddreg [dreg:$0x1];
	p0 =	sne.s32 s2, $0x0  }
0x1e5: {  	s3 =	rddreg [dreg:$0x2];
	[bflag:$0x3] =	sbarrier.arrive $0xFFFF;
	s2 =	simm.s32 @!p0 $0x1C03  }
0x1e6: {  	[timem:s3], [sflag:s2] =	dma.local @!p0 [hbm:s0], s1  }
0x1e7: {  	s0 =	simm.s32 @!p0 $0x3  }
0x1e8: {  	_ =	swait.ge @!p0 [sflag:s0], s1  }
0x1e9: {  	s1 =	ssub.s32 @!p0 $0x0, s1;
	[sflag:s0] =	ssyncset.done @!p0 $0x0  }
0x1ea: {  	[sflag:s0] =	ssyncadd.s32 @!p0 s1  }
0x1eb: {  	[bflag:$0x3] =	sbarrier.arrive $0xFFFF  }
0x1ec: {  	_ =	shalt  }

</sc_bundles>
